<compile_context>
chip_gen: v7x
topology: tpu7x:2x2x1
jax: 0.10.2.dev20260603
libtpu: 0.0.44.dev20260713+nightly
codegen_flags: <defaults>
</compile_context>

<pallas_src>
import functools

import jax
import jax.numpy as jnp
from jax import lax
from jax.experimental import pallas as pl
from jax.experimental.pallas import tpu as pltpu
from jax.experimental.pallas import tpu_sc as plsc

_V = 1000
_D = 16
_B = 3_200_000

_Q = _B // 128
_TPW = 782
_K = 23
_C = _K * 128
_NCHUNK = _TPW // _K
_RHALF = _K * 8 * 128
_UNROLL = 2

_info = plsc.get_sparse_core_info()
_NC = _info.num_cores
_NS = _info.num_subcores
_NW = _NC * _NS

_mesh = plsc.VectorSubcoreMesh(core_axis_name="c", subcore_axis_name="s")


@functools.partial(
    pl.kernel,
    mesh=_mesh,
    out_type=jax.ShapeDtypeStruct((_B * _D,), jnp.float32),
    scratch_types=[
        pltpu.VMEM((_C,), jnp.int32),
        pltpu.VMEM((_C,), jnp.int32),
        pltpu.VMEM((2 * _RHALF,), jnp.float32),
        pltpu.VMEM((2 * _RHALF,), jnp.float32),
        pltpu.VMEM((_D, _V), jnp.float32),
        pltpu.SemaphoreType.DMA,
        pltpu.SemaphoreType.DMA,
        pltpu.SemaphoreType.DMA,
        pltpu.SemaphoreType.DMA,
    ],
    compiler_params=pltpu.CompilerParams(
        use_tc_tiling_on_sc=False, needs_layout_passes=False
    ),
)
def _lookup(idx_hbm, tab_t_hbm, out_hbm, idx_a, idx_b, rows_a, rows_b,
            tab_t, si0, si1, so0, so1):
    idx = (idx_a, idx_b)
    rows = (rows_a, rows_b)
    si = (si0, si1)
    so = (so0, so1)
    sid = lax.axis_index("s")
    wid = sid * _NC + lax.axis_index("c")
    qs = (wid * (_Q - _TPW)) // (_NW - 1)

    pltpu.sync_copy(tab_t_hbm, tab_t)

    def istart(g, b):
        pltpu.async_copy(
            idx_hbm.at[pl.ds((qs + g * _K) * 128, _C)], idx[b], si[b]
        )

    def iwait(g, b):
        pltpu.make_async_copy(
            idx_hbm.at[pl.ds((qs + g * _K) * 128, _C)], idx[b], si[b]
        ).wait()

    def ostart(g, b):
        qc = qs + g * _K
        for r in range(2):
            pltpu.async_copy(
                rows[b].at[pl.ds(r * _RHALF, _RHALF)],
                out_hbm.at[pl.ds((r * _Q + qc) * 1024, _RHALF)],
                so[b],
            )

    def owait(g, b):
        qc = qs + g * _K
        for r in range(2):
            pltpu.make_async_copy(
                rows[b].at[pl.ds(r * _RHALF, _RHALF)],
                out_hbm.at[pl.ds((r * _Q + qc) * 1024, _RHALF)],
                so[b],
            ).wait()

    cols = [jnp.full((16,), d, jnp.int32) for d in range(_D)]
    dconst = [(d // 8) * _RHALF + (d % 8) * 128 for d in range(_D)]

    def gather_chunk(b):
        @plsc.parallel_loop(0, _C, step=16, unroll=_UNROLL)
        def _(i):
            ib = ((i >> 7) << 10) + (i & 127)
            idxv = idx[b][pl.ds(i, 16)]
            for d in range(_D):
                vals = plsc.load_gather(tab_t, [cols[d], idxv])
                rows[b][pl.ds(ib + dconst[d], 16)] = vals

    istart(0, 0)
    istart(1, 1)

    def pair(gp, carry):
        g0 = gp * 2

        @pl.when(gp > 0)
        def _():
            owait(g0 - 2, 0)
        iwait(g0, 0)
        gather_chunk(0)
        ostart(g0, 0)

        @pl.when(g0 + 2 < _NCHUNK)
        def _():
            istart(g0 + 2, 0)

        @pl.when(gp > 0)
        def _():
            owait(g0 - 1, 1)
        iwait(g0 + 1, 1)
        gather_chunk(1)
        ostart(g0 + 1, 1)

        @pl.when(g0 + 3 < _NCHUNK)
        def _():
            istart(g0 + 3, 1)
        return carry

    lax.fori_loop(0, _NCHUNK // 2, pair, 0)
    owait(_NCHUNK - 2, 0)
    owait(_NCHUNK - 1, 1)


def kernel(type_indices, type_embedding_weight):
    flat = _lookup(type_indices, type_embedding_weight.T)
    out4 = flat.reshape(2, _Q, 8, 128)
    return out4.transpose(1, 3, 0, 2).reshape(_B, _D)

# --- scband reference (transcript-rebuilt; emitter-appended) ---
"""Pipeline reference for scband-edge-type-encoder-21492016349698 (READ-ONLY COPY).

The authoritative reference and input builder live on the scoring server;
editing this copy changes nothing except your own understanding.
"""

import jax, jax.numpy as jnp
import numpy as np

NUM_TYPES = 1000
HIDDEN_DIM = 16
NUM_EDGES = 3200000


def setup_inputs(seed: int = 0) -> dict:
    key = jax.random.key(seed)
    k_idx, k_w = jax.random.split(key)
    type_indices = jax.random.randint(k_idx, (NUM_EDGES,), 0, NUM_TYPES, dtype=jnp.int64 if jax.config.jax_enable_x64 else jnp.int32)
    # nn.Embedding weight initialized with normal(std=0.02)
    type_embedding_weight = jax.random.normal(k_w, (NUM_TYPES, HIDDEN_DIM), dtype=jnp.float32) * 0.02
    return {"type_indices": type_indices, "type_embedding_weight": type_embedding_weight}


def reference(type_indices, type_embedding_weight):
    # EdgeTypeEncoder.forward: embedding lookup -> (num_edges, hidden_dim)
    return jnp.take(type_embedding_weight, type_indices, axis=0)

if __name__ == "__main__":
    import jax
    _d = setup_inputs()
    print(jax.jit(kernel)(*tuple(_d.values())))

</pallas_src>

<mosaic_0001>
#map = affine_map<(d0, d1) -> (0)>
#map1 = affine_map<(d0, d1) -> (0, 0)>
module attributes {stable_mosaic.version = 14 : i64} {
  func.func @_lookup(%arg0: i32, %arg1: i32, %arg2: memref<3200000xi32, #tpu.memory_space<hbm>>, %arg3: memref<16x1000xf32, #tpu.memory_space<hbm>>, %arg4: memref<51200000xf32, #tpu.memory_space<hbm>>, %arg5: memref<2944xi32, #tpu.memory_space<vmem>>, %arg6: memref<2944xi32, #tpu.memory_space<vmem>>, %arg7: memref<47104xf32, #tpu.memory_space<vmem>>, %arg8: memref<47104xf32, #tpu.memory_space<vmem>>, %arg9: memref<16x1000xf32, #tpu.memory_space<vmem>>, %arg10: memref<!tpu.dma_semaphore, #tpu.memory_space<semaphore_mem>>, %arg11: memref<!tpu.dma_semaphore, #tpu.memory_space<semaphore_mem>>, %arg12: memref<!tpu.dma_semaphore, #tpu.memory_space<semaphore_mem>>, %arg13: memref<!tpu.dma_semaphore, #tpu.memory_space<semaphore_mem>>) attributes {dimension_semantics = [#tpu.dimension_semantics<core_parallel>, #tpu.dimension_semantics<subcore_parallel>], iteration_bounds = array<i64: 2, 16>, scalar_prefetch = 0 : i64, scratch_operands = 9 : i64, tpu.core_type = #tpu.core_type<sc_vector_subcore>, window_params = [{transform_indices = #map}, {transform_indices = #map1}, {transform_indices = #map}]} {
    %mul3A = arith.constant 2 : i32
    %mul3A_0 = arith.muli %arg1, %mul3A : i32
    %add3A = arith.addi %mul3A_0, %arg0 : i32
    %mul3A_1 = arith.constant 24218 : i32
    %mul3A_2 = arith.muli %add3A, %mul3A_1 : i32
    %jit3A = arith.constant 31 : i32
    %div3A = arith.divsi %mul3A_2, %jit3A : i32
    %sign3A = arith.constant 0 : i32
    %sign3A_3 = arith.cmpi sgt, %mul3A_2, %sign3A : i32
    %sign3A_4 = arith.extui %sign3A_3 : i1 to i32
    %sign3A_5 = arith.constant 0 : i32
    %sign3A_6 = arith.cmpi slt, %mul3A_2, %sign3A_5 : i32
    %sign3A_7 = arith.extui %sign3A_6 : i1 to i32
    %sign3A_8 = arith.subi %sign3A_4, %sign3A_7 : i32
    %sign3A_9 = arith.constant 0 : i32
    %sign3A_10 = arith.cmpi sgt, %jit3A, %sign3A_9 : i32
    %sign3A_11 = arith.extui %sign3A_10 : i1 to i32
    %sign3A_12 = arith.constant 0 : i32
    %sign3A_13 = arith.cmpi slt, %jit3A, %sign3A_12 : i32
    %sign3A_14 = arith.extui %sign3A_13 : i1 to i32
    %sign3A_15 = arith.subi %sign3A_11, %sign3A_14 : i32
    %ne3A = arith.cmpi ne, %sign3A_8, %sign3A_15 : i32
    %rem3A = arith.remsi %mul3A_2, %jit3A : i32
    %ne3A_16 = arith.constant 0 : i32
    %ne3A_17 = arith.cmpi ne, %rem3A, %ne3A_16 : i32
    %and3A = arith.andi %ne3A, %ne3A_17 : i1
    %sub3A = arith.constant 1 : i32
    %sub3A_18 = arith.subi %div3A, %sub3A : i32
    %select_n3A = arith.select %and3A, %sub3A_18, %div3A : i32
    "tpu.region"() ({
      %run_scoped3A = tpu.sem_alloc : memref<!tpu.dma_semaphore, #tpu.memory_space<semaphore_mem>>
      tpu.enqueue_dma source(%arg3 : memref<16x1000xf32, #tpu.memory_space<hbm>>) target(%arg9 : memref<16x1000xf32, #tpu.memory_space<vmem>>) target_semaphore(%run_scoped3A : memref<!tpu.dma_semaphore, #tpu.memory_space<semaphore_mem>>)
      tpu.wait_dma2 semaphore(%run_scoped3A : memref<!tpu.dma_semaphore, #tpu.memory_space<semaphore_mem>>) src(%arg3 : memref<16x1000xf32, #tpu.memory_space<hbm>>) dst(%arg9 : memref<16x1000xf32, #tpu.memory_space<vmem>>)
      tpu.yield
    }) : () -> ()
    %broadcast_in_dim3A = arith.constant 0 : i32
    %broadcast_in_dim3A_19 = vector.broadcast %broadcast_in_dim3A : i32 to vector<16xi32>
    %broadcast_in_dim3A_20 = arith.constant 1 : i32
    %broadcast_in_dim3A_21 = vector.broadcast %broadcast_in_dim3A_20 : i32 to vector<16xi32>
    %broadcast_in_dim3A_22 = arith.constant 2 : i32
    %broadcast_in_dim3A_23 = vector.broadcast %broadcast_in_dim3A_22 : i32 to vector<16xi32>
    %broadcast_in_dim3A_24 = arith.constant 3 : i32
    %broadcast_in_dim3A_25 = vector.broadcast %broadcast_in_dim3A_24 : i32 to vector<16xi32>
    %broadcast_in_dim3A_26 = arith.constant 4 : i32
    %broadcast_in_dim3A_27 = vector.broadcast %broadcast_in_dim3A_26 : i32 to vector<16xi32>
    %broadcast_in_dim3A_28 = arith.constant 5 : i32
    %broadcast_in_dim3A_29 = vector.broadcast %broadcast_in_dim3A_28 : i32 to vector<16xi32>
    %broadcast_in_dim3A_30 = arith.constant 6 : i32
    %broadcast_in_dim3A_31 = vector.broadcast %broadcast_in_dim3A_30 : i32 to vector<16xi32>
    %broadcast_in_dim3A_32 = arith.constant 7 : i32
    %broadcast_in_dim3A_33 = vector.broadcast %broadcast_in_dim3A_32 : i32 to vector<16xi32>
    %broadcast_in_dim3A_34 = arith.constant 8 : i32
    %broadcast_in_dim3A_35 = vector.broadcast %broadcast_in_dim3A_34 : i32 to vector<16xi32>
    %broadcast_in_dim3A_36 = arith.constant 9 : i32
    %broadcast_in_dim3A_37 = vector.broadcast %broadcast_in_dim3A_36 : i32 to vector<16xi32>
    %broadcast_in_dim3A_38 = arith.constant 10 : i32
    %broadcast_in_dim3A_39 = vector.broadcast %broadcast_in_dim3A_38 : i32 to vector<16xi32>
    %broadcast_in_dim3A_40 = arith.constant 11 : i32
    %broadcast_in_dim3A_41 = vector.broadcast %broadcast_in_dim3A_40 : i32 to vector<16xi32>
    %broadcast_in_dim3A_42 = arith.constant 12 : i32
    %broadcast_in_dim3A_43 = vector.broadcast %broadcast_in_dim3A_42 : i32 to vector<16xi32>
    %broadcast_in_dim3A_44 = arith.constant 13 : i32
    %broadcast_in_dim3A_45 = vector.broadcast %broadcast_in_dim3A_44 : i32 to vector<16xi32>
    %broadcast_in_dim3A_46 = arith.constant 14 : i32
    %broadcast_in_dim3A_47 = vector.broadcast %broadcast_in_dim3A_46 : i32 to vector<16xi32>
    %broadcast_in_dim3A_48 = arith.constant 15 : i32
    %broadcast_in_dim3A_49 = vector.broadcast %broadcast_in_dim3A_48 : i32 to vector<16xi32>
    %add3A_50 = arith.constant 0 : i32
    %add3A_51 = arith.addi %select_n3A, %add3A_50 : i32
    %mul3A_52 = arith.constant 128 : i32
    %mul3A_53 = arith.muli %add3A_51, %mul3A_52 : i32
    %dma_start3A = tpu.memref_slice %arg2[%mul3A_53] : memref<3200000xi32, #tpu.memory_space<hbm>> -> memref<2944xi32, #tpu.memory_space<hbm>>
    %dma_start3A_54 = tpu.memref_slice %arg2[%mul3A_53] : memref<3200000xi32, #tpu.memory_space<hbm>> -> memref<2944xi32, #tpu.memory_space<hbm>>
    tpu.enqueue_dma source(%dma_start3A_54 : memref<2944xi32, #tpu.memory_space<hbm>>) target(%arg5 : memref<2944xi32, #tpu.memory_space<vmem>>) target_semaphore(%arg10 : memref<!tpu.dma_semaphore, #tpu.memory_space<semaphore_mem>>)
    %add3A_55 = arith.constant 23 : i32
    %add3A_56 = arith.addi %select_n3A, %add3A_55 : i32
    %mul3A_57 = arith.constant 128 : i32
    %mul3A_58 = arith.muli %add3A_56, %mul3A_57 : i32
    %dma_start3A_59 = tpu.memref_slice %arg2[%mul3A_58] : memref<3200000xi32, #tpu.memory_space<hbm>> -> memref<2944xi32, #tpu.memory_space<hbm>>
    %dma_start3A_60 = tpu.memref_slice %arg2[%mul3A_58] : memref<3200000xi32, #tpu.memory_space<hbm>> -> memref<2944xi32, #tpu.memory_space<hbm>>
    tpu.enqueue_dma source(%dma_start3A_60 : memref<2944xi32, #tpu.memory_space<hbm>>) target(%arg6 : memref<2944xi32, #tpu.memory_space<vmem>>) target_semaphore(%arg11 : memref<!tpu.dma_semaphore, #tpu.memory_space<semaphore_mem>>)
    %scan3A = arith.constant 0 : i32
    %scan3A_61 = arith.constant 0 : i32
    %scan3A_62 = arith.constant 17 : i32
    %scan3A_63 = arith.addi %scan3A_61, %scan3A_62 : i32
    %scan3A_64 = arith.constant 1 : i32
    scf.for %scan3A_109 = %scan3A_61 to %scan3A_63 step %scan3A_64  : i32 {
      %mul3A_110 = arith.constant 2 : i32
      %mul3A_111 = arith.muli %scan3A_109, %mul3A_110 : i32
      %gt3A = arith.constant 0 : i32
      %gt3A_112 = arith.cmpi sgt, %scan3A_109, %gt3A : i32
      %convert_element_type3A = arith.extui %gt3A_112 : i1 to i32
      %cond3A = arith.constant 0 : i32
      %cond3A_113 = arith.cmpi ne, %convert_element_type3A, %cond3A : i32
      scf.if %cond3A_113 {
        %sub3A_201 = arith.constant 2 : i32
        %sub3A_202 = arith.subi %mul3A_111, %sub3A_201 : i32
        %mul3A_203 = arith.constant 23 : i32
        %mul3A_204 = arith.muli %sub3A_202, %mul3A_203 : i32
        %add3A_205 = arith.addi %select_n3A, %mul3A_204 : i32
        %add3A_206 = arith.constant 0 : i32
        %add3A_207 = arith.addi %add3A_206, %add3A_205 : i32
        %mul3A_208 = arith.constant 1024 : i32
        %mul3A_209 = arith.muli %add3A_207, %mul3A_208 : i32
        %dma_wait3A_210 = arith.constant 0 : i32
        %dma_wait3A_211 = tpu.memref_slice %arg7[%dma_wait3A_210] : memref<47104xf32, #tpu.memory_space<vmem>> -> memref<23552xf32, #tpu.memory_space<vmem>>
        %dma_wait3A_212 = tpu.memref_slice %arg4[%mul3A_209] : memref<51200000xf32, #tpu.memory_space<hbm>> -> memref<23552xf32, #tpu.memory_space<hbm>>
        %dma_wait3A_213 = tpu.memref_slice %arg4[%mul3A_209] : memref<51200000xf32, #tpu.memory_space<hbm>> -> memref<23552xf32, #tpu.memory_space<hbm>>
        %dma_wait3A_214 = arith.constant 0 : i32
        %dma_wait3A_215 = tpu.memref_slice %arg7[%dma_wait3A_214] : memref<47104xf32, #tpu.memory_space<vmem>> -> memref<23552xf32, #tpu.memory_space<vmem>>
        tpu.wait_dma2 semaphore(%arg12 : memref<!tpu.dma_semaphore, #tpu.memory_space<semaphore_mem>>) src(%dma_wait3A_215 : memref<23552xf32, #tpu.memory_space<vmem>>) dst(%dma_wait3A_213 : memref<23552xf32, #tpu.memory_space<hbm>>)
        %add3A_216 = arith.constant 25000 : i32
        %add3A_217 = arith.addi %add3A_216, %add3A_205 : i32
        %mul3A_218 = arith.constant 1024 : i32
        %mul3A_219 = arith.muli %add3A_217, %mul3A_218 : i32
        %dma_wait3A_220 = arith.constant 23552 : i32
        %dma_wait3A_221 = tpu.memref_slice %arg7[%dma_wait3A_220] : memref<47104xf32, #tpu.memory_space<vmem>> -> memref<23552xf32, #tpu.memory_space<vmem>>
        %dma_wait3A_222 = tpu.memref_slice %arg4[%mul3A_219] : memref<51200000xf32, #tpu.memory_space<hbm>> -> memref<23552xf32, #tpu.memory_space<hbm>>
        %dma_wait3A_223 = tpu.memref_slice %arg4[%mul3A_219] : memref<51200000xf32, #tpu.memory_space<hbm>> -> memref<23552xf32, #tpu.memory_space<hbm>>
        %dma_wait3A_224 = arith.constant 23552 : i32
        %dma_wait3A_225 = tpu.memref_slice %arg7[%dma_wait3A_224] : memref<47104xf32, #tpu.memory_space<vmem>> -> memref<23552xf32, #tpu.memory_space<vmem>>
        tpu.wait_dma2 semaphore(%arg12 : memref<!tpu.dma_semaphore, #tpu.memory_space<semaphore_mem>>) src(%dma_wait3A_225 : memref<23552xf32, #tpu.memory_space<vmem>>) dst(%dma_wait3A_223 : memref<23552xf32, #tpu.memory_space<hbm>>)
      } else {
      }
      %mul3A_114 = arith.constant 23 : i32
      %mul3A_115 = arith.muli %mul3A_111, %mul3A_114 : i32
      %add3A_116 = arith.addi %select_n3A, %mul3A_115 : i32
      %mul3A_117 = arith.constant 128 : i32
      %mul3A_118 = arith.muli %add3A_116, %mul3A_117 : i32
      %dma_wait3A_119 = tpu.memref_slice %arg2[%mul3A_118] : memref<3200000xi32, #tpu.memory_space<hbm>> -> memref<2944xi32, #tpu.memory_space<hbm>>
      %dma_wait3A_120 = tpu.memref_slice %arg2[%mul3A_118] : memref<3200000xi32, #tpu.memory_space<hbm>> -> memref<2944xi32, #tpu.memory_space<hbm>>
      tpu.wait_dma2 semaphore(%arg10 : memref<!tpu.dma_semaphore, #tpu.memory_space<semaphore_mem>>) src(%dma_wait3A_120 : memref<2944xi32, #tpu.memory_space<hbm>>) dst(%arg5 : memref<2944xi32, #tpu.memory_space<vmem>>)
      %parallel_loop3A = arith.constant 0 : i32
      %parallel_loop3A_121 = arith.constant 2944 : i32
      %parallel_loop3A_122 = arith.constant 16 : i32
      scf.for %parallel_loop3A_201 = %parallel_loop3A to %parallel_loop3A_121 step %parallel_loop3A_122  : i32 {
        %parallel_loop3A_202 = arith.constant 7 : i32
        %parallel_loop3A_203 = arith.shrsi %parallel_loop3A_201, %parallel_loop3A_202 : i32
        %parallel_loop3A_204 = arith.constant 10 : i32
        %parallel_loop3A_205 = arith.shli %parallel_loop3A_203, %parallel_loop3A_204 : i32
        %parallel_loop3A_206 = arith.constant 127 : i32
        %parallel_loop3A_207 = arith.andi %parallel_loop3A_201, %parallel_loop3A_206 : i32
        %parallel_loop3A_208 = arith.addi %parallel_loop3A_205, %parallel_loop3A_207 : i32
        %parallel_loop3A_209 = arith.index_cast %parallel_loop3A_201 : i32 to index
        %parallel_loop3A_210 = tpu.vector_load %arg5[%parallel_loop3A_209] {strides = array<i32>} : memref<2944xi32, #tpu.memory_space<vmem>>, vector<16xi32>,
        %parallel_loop3A_211 = tpu.vector_load_idx %arg9[%broadcast_in_dim3A_19, %parallel_loop3A_210] : memref<16x1000xf32, #tpu.memory_space<vmem>>[vector<16xi32>, vector<16xi32>], vector<16xf32>,
        %parallel_loop3A_212 = arith.constant 0 : i32
        %parallel_loop3A_213 = arith.addi %parallel_loop3A_208, %parallel_loop3A_212 : i32
        %parallel_loop3A_214 = arith.index_cast %parallel_loop3A_213 : i32 to index
        %parallel_loop3A_215 = tpu.vector_load %arg7[%parallel_loop3A_214] {strides = array<i32>} : memref<47104xf32, #tpu.memory_space<vmem>>, vector<16xf32>,
        tpu.vector_store %arg7[%parallel_loop3A_214], %parallel_loop3A_211 {strides = array<i32>} : memref<47104xf32, #tpu.memory_space<vmem>>, vector<16xf32>,
        %parallel_loop3A_216 = tpu.vector_load_idx %arg9[%broadcast_in_dim3A_21, %parallel_loop3A_210] : memref<16x1000xf32, #tpu.memory_space<vmem>>[vector<16xi32>, vector<16xi32>], vector<16xf32>,
        %parallel_loop3A_217 = arith.constant 128 : i32
        %parallel_loop3A_218 = arith.addi %parallel_loop3A_208, %parallel_loop3A_217 : i32
        %parallel_loop3A_219 = arith.index_cast %parallel_loop3A_218 : i32 to index
        %parallel_loop3A_220 = tpu.vector_load %arg7[%parallel_loop3A_219] {strides = array<i32>} : memref<47104xf32, #tpu.memory_space<vmem>>, vector<16xf32>,
        tpu.vector_store %arg7[%parallel_loop3A_219], %parallel_loop3A_216 {strides = array<i32>} : memref<47104xf32, #tpu.memory_space<vmem>>, vector<16xf32>,
        %parallel_loop3A_221 = tpu.vector_load_idx %arg9[%broadcast_in_dim3A_23, %parallel_loop3A_210] : memref<16x1000xf32, #tpu.memory_space<vmem>>[vector<16xi32>, vector<16xi32>], vector<16xf32>,
        %parallel_loop3A_222 = arith.constant 256 : i32
        %parallel_loop3A_223 = arith.addi %parallel_loop3A_208, %parallel_loop3A_222 : i32
        %parallel_loop3A_224 = arith.index_cast %parallel_loop3A_223 : i32 to index
        %parallel_loop3A_225 = tpu.vector_load %arg7[%parallel_loop3A_224] {strides = array<i32>} : memref<47104xf32, #tpu.memory_space<vmem>>, vector<16xf32>,
        tpu.vector_store %arg7[%parallel_loop3A_224], %parallel_loop3A_221 {strides = array<i32>} : memref<47104xf32, #tpu.memory_space<vmem>>, vector<16xf32>,
        %parallel_loop3A_226 = tpu.vector_load_idx %arg9[%broadcast_in_dim3A_25, %parallel_loop3A_210] : memref<16x1000xf32, #tpu.memory_space<vmem>>[vector<16xi32>, vector<16xi32>], vector<16xf32>,
        %parallel_loop3A_227 = arith.constant 384 : i32
        %parallel_loop3A_228 = arith.addi %parallel_loop3A_208, %parallel_loop3A_227 : i32
        %parallel_loop3A_229 = arith.index_cast %parallel_loop3A_228 : i32 to index
        %parallel_loop3A_230 = tpu.vector_load %arg7[%parallel_loop3A_229] {strides = array<i32>} : memref<47104xf32, #tpu.memory_space<vmem>>, vector<16xf32>,
        tpu.vector_store %arg7[%parallel_loop3A_229], %parallel_loop3A_226 {strides = array<i32>} : memref<47104xf32, #tpu.memory_space<vmem>>, vector<16xf32>,
        %parallel_loop3A_231 = tpu.vector_load_idx %arg9[%broadcast_in_dim3A_27, %parallel_loop3A_210] : memref<16x1000xf32, #tpu.memory_space<vmem>>[vector<16xi32>, vector<16xi32>], vector<16xf32>,
        %parallel_loop3A_232 = arith.constant 512 : i32
        %parallel_loop3A_233 = arith.addi %parallel_loop3A_208, %parallel_loop3A_232 : i32
        %parallel_loop3A_234 = arith.index_cast %parallel_loop3A_233 : i32 to index
        %parallel_loop3A_235 = tpu.vector_load %arg7[%parallel_loop3A_234] {strides = array<i32>} : memref<47104xf32, #tpu.memory_space<vmem>>, vector<16xf32>,
        tpu.vector_store %arg7[%parallel_loop3A_234], %parallel_loop3A_231 {strides = array<i32>} : memref<47104xf32, #tpu.memory_space<vmem>>, vector<16xf32>,
        %parallel_loop3A_236 = tpu.vector_load_idx %arg9[%broadcast_in_dim3A_29, %parallel_loop3A_210] : memref<16x1000xf32, #tpu.memory_space<vmem>>[vector<16xi32>, vector<16xi32>], vector<16xf32>,
        %parallel_loop3A_237 = arith.constant 640 : i32
        %parallel_loop3A_238 = arith.addi %parallel_loop3A_208, %parallel_loop3A_237 : i32
        %parallel_loop3A_239 = arith.index_cast %parallel_loop3A_238 : i32 to index
        %parallel_loop3A_240 = tpu.vector_load %arg7[%parallel_loop3A_239] {strides = array<i32>} : memref<47104xf32, #tpu.memory_space<vmem>>, vector<16xf32>,
        tpu.vector_store %arg7[%parallel_loop3A_239], %parallel_loop3A_236 {strides = array<i32>} : memref<47104xf32, #tpu.memory_space<vmem>>, vector<16xf32>,
        %parallel_loop3A_241 = tpu.vector_load_idx %arg9[%broadcast_in_dim3A_31, %parallel_loop3A_210] : memref<16x1000xf32, #tpu.memory_space<vmem>>[vector<16xi32>, vector<16xi32>], vector<16xf32>,
        %parallel_loop3A_242 = arith.constant 768 : i32
        %parallel_loop3A_243 = arith.addi %parallel_loop3A_208, %parallel_loop3A_242 : i32
        %parallel_loop3A_244 = arith.index_cast %parallel_loop3A_243 : i32 to index
        %parallel_loop3A_245 = tpu.vector_load %arg7[%parallel_loop3A_244] {strides = array<i32>} : memref<47104xf32, #tpu.memory_space<vmem>>, vector<16xf32>,
        tpu.vector_store %arg7[%parallel_loop3A_244], %parallel_loop3A_241 {strides = array<i32>} : memref<47104xf32, #tpu.memory_space<vmem>>, vector<16xf32>,
        %parallel_loop3A_246 = tpu.vector_load_idx %arg9[%broadcast_in_dim3A_33, %parallel_loop3A_210] : memref<16x1000xf32, #tpu.memory_space<vmem>>[vector<16xi32>, vector<16xi32>], vector<16xf32>,
        %parallel_loop3A_247 = arith.constant 896 : i32
        %parallel_loop3A_248 = arith.addi %parallel_loop3A_208, %parallel_loop3A_247 : i32
        %parallel_loop3A_249 = arith.index_cast %parallel_loop3A_248 : i32 to index
        %parallel_loop3A_250 = tpu.vector_load %arg7[%parallel_loop3A_249] {strides = array<i32>} : memref<47104xf32, #tpu.memory_space<vmem>>, vector<16xf32>,
        tpu.vector_store %arg7[%parallel_loop3A_249], %parallel_loop3A_246 {strides = array<i32>} : memref<47104xf32, #tpu.memory_space<vmem>>, vector<16xf32>,
        %parallel_loop3A_251 = tpu.vector_load_idx %arg9[%broadcast_in_dim3A_35, %parallel_loop3A_210] : memref<16x1000xf32, #tpu.memory_space<vmem>>[vector<16xi32>, vector<16xi32>], vector<16xf32>,
        %parallel_loop3A_252 = arith.constant 23552 : i32
        %parallel_loop3A_253 = arith.addi %parallel_loop3A_208, %parallel_loop3A_252 : i32
        %parallel_loop3A_254 = arith.index_cast %parallel_loop3A_253 : i32 to index
        %parallel_loop3A_255 = tpu.vector_load %arg7[%parallel_loop3A_254] {strides = array<i32>} : memref<47104xf32, #tpu.memory_space<vmem>>, vector<16xf32>,
        tpu.vector_store %arg7[%parallel_loop3A_254], %parallel_loop3A_251 {strides = array<i32>} : memref<47104xf32, #tpu.memory_space<vmem>>, vector<16xf32>,
        %parallel_loop3A_256 = tpu.vector_load_idx %arg9[%broadcast_in_dim3A_37, %parallel_loop3A_210] : memref<16x1000xf32, #tpu.memory_space<vmem>>[vector<16xi32>, vector<16xi32>], vector<16xf32>,
        %parallel_loop3A_257 = arith.constant 23680 : i32
        %parallel_loop3A_258 = arith.addi %parallel_loop3A_208, %parallel_loop3A_257 : i32
        %parallel_loop3A_259 = arith.index_cast %parallel_loop3A_258 : i32 to index
        %parallel_loop3A_260 = tpu.vector_load %arg7[%parallel_loop3A_259] {strides = array<i32>} : memref<47104xf32, #tpu.memory_space<vmem>>, vector<16xf32>,
        tpu.vector_store %arg7[%parallel_loop3A_259], %parallel_loop3A_256 {strides = array<i32>} : memref<47104xf32, #tpu.memory_space<vmem>>, vector<16xf32>,
        %parallel_loop3A_261 = tpu.vector_load_idx %arg9[%broadcast_in_dim3A_39, %parallel_loop3A_210] : memref<16x1000xf32, #tpu.memory_space<vmem>>[vector<16xi32>, vector<16xi32>], vector<16xf32>,
        %parallel_loop3A_262 = arith.constant 23808 : i32
        %parallel_loop3A_263 = arith.addi %parallel_loop3A_208, %parallel_loop3A_262 : i32
        %parallel_loop3A_264 = arith.index_cast %parallel_loop3A_263 : i32 to index
        %parallel_loop3A_265 = tpu.vector_load %arg7[%parallel_loop3A_264] {strides = array<i32>} : memref<47104xf32, #tpu.memory_space<vmem>>, vector<16xf32>,
        tpu.vector_store %arg7[%parallel_loop3A_264], %parallel_loop3A_261 {strides = array<i32>} : memref<47104xf32, #tpu.memory_space<vmem>>, vector<16xf32>,
        %parallel_loop3A_266 = tpu.vector_load_idx %arg9[%broadcast_in_dim3A_41, %parallel_loop3A_210] : memref<16x1000xf32, #tpu.memory_space<vmem>>[vector<16xi32>, vector<16xi32>], vector<16xf32>,
        %parallel_loop3A_267 = arith.constant 23936 : i32
        %parallel_loop3A_268 = arith.addi %parallel_loop3A_208, %parallel_loop3A_267 : i32
        %parallel_loop3A_269 = arith.index_cast %parallel_loop3A_268 : i32 to index
        %parallel_loop3A_270 = tpu.vector_load %arg7[%parallel_loop3A_269] {strides = array<i32>} : memref<47104xf32, #tpu.memory_space<vmem>>, vector<16xf32>,
        tpu.vector_store %arg7[%parallel_loop3A_269], %parallel_loop3A_266 {strides = array<i32>} : memref<47104xf32, #tpu.memory_space<vmem>>, vector<16xf32>,
        %parallel_loop3A_271 = tpu.vector_load_idx %arg9[%broadcast_in_dim3A_43, %parallel_loop3A_210] : memref<16x1000xf32, #tpu.memory_space<vmem>>[vector<16xi32>, vector<16xi32>], vector<16xf32>,
        %parallel_loop3A_272 = arith.constant 24064 : i32
        %parallel_loop3A_273 = arith.addi %parallel_loop3A_208, %parallel_loop3A_272 : i32
        %parallel_loop3A_274 = arith.index_cast %parallel_loop3A_273 : i32 to index
        %parallel_loop3A_275 = tpu.vector_load %arg7[%parallel_loop3A_274] {strides = array<i32>} : memref<47104xf32, #tpu.memory_space<vmem>>, vector<16xf32>,
        tpu.vector_store %arg7[%parallel_loop3A_274], %parallel_loop3A_271 {strides = array<i32>} : memref<47104xf32, #tpu.memory_space<vmem>>, vector<16xf32>,
        %parallel_loop3A_276 = tpu.vector_load_idx %arg9[%broadcast_in_dim3A_45, %parallel_loop3A_210] : memref<16x1000xf32, #tpu.memory_space<vmem>>[vector<16xi32>, vector<16xi32>], vector<16xf32>,
        %parallel_loop3A_277 = arith.constant 24192 : i32
        %parallel_loop3A_278 = arith.addi %parallel_loop3A_208, %parallel_loop3A_277 : i32
        %parallel_loop3A_279 = arith.index_cast %parallel_loop3A_278 : i32 to index
        %parallel_loop3A_280 = tpu.vector_load %arg7[%parallel_loop3A_279] {strides = array<i32>} : memref<47104xf32, #tpu.memory_space<vmem>>, vector<16xf32>,
        tpu.vector_store %arg7[%parallel_loop3A_279], %parallel_loop3A_276 {strides = array<i32>} : memref<47104xf32, #tpu.memory_space<vmem>>, vector<16xf32>,
        %parallel_loop3A_281 = tpu.vector_load_idx %arg9[%broadcast_in_dim3A_47, %parallel_loop3A_210] : memref<16x1000xf32, #tpu.memory_space<vmem>>[vector<16xi32>, vector<16xi32>], vector<16xf32>,
        %parallel_loop3A_282 = arith.constant 24320 : i32
        %parallel_loop3A_283 = arith.addi %parallel_loop3A_208, %parallel_loop3A_282 : i32
        %parallel_loop3A_284 = arith.index_cast %parallel_loop3A_283 : i32 to index
        %parallel_loop3A_285 = tpu.vector_load %arg7[%parallel_loop3A_284] {strides = array<i32>} : memref<47104xf32, #tpu.memory_space<vmem>>, vector<16xf32>,
        tpu.vector_store %arg7[%parallel_loop3A_284], %parallel_loop3A_281 {strides = array<i32>} : memref<47104xf32, #tpu.memory_space<vmem>>, vector<16xf32>,
        %parallel_loop3A_286 = tpu.vector_load_idx %arg9[%broadcast_in_dim3A_49, %parallel_loop3A_210] : memref<16x1000xf32, #tpu.memory_space<vmem>>[vector<16xi32>, vector<16xi32>], vector<16xf32>,
        %parallel_loop3A_287 = arith.constant 24448 : i32
        %parallel_loop3A_288 = arith.addi %parallel_loop3A_208, %parallel_loop3A_287 : i32
        %parallel_loop3A_289 = arith.index_cast %parallel_loop3A_288 : i32 to index
        %parallel_loop3A_290 = tpu.vector_load %arg7[%parallel_loop3A_289] {strides = array<i32>} : memref<47104xf32, #tpu.memory_space<vmem>>, vector<16xf32>,
        tpu.vector_store %arg7[%parallel_loop3A_289], %parallel_loop3A_286 {strides = array<i32>} : memref<47104xf32, #tpu.memory_space<vmem>>, vector<16xf32>,
      } {sc.loop_unroll_factor = 2 : i64, sc.parallel_access}
      %mul3A_123 = arith.constant 23 : i32
      %mul3A_124 = arith.muli %mul3A_111, %mul3A_123 : i32
      %add3A_125 = arith.addi %select_n3A, %mul3A_124 : i32
      %add3A_126 = arith.constant 0 : i32
      %add3A_127 = arith.addi %add3A_126, %add3A_125 : i32
      %mul3A_128 = arith.constant 1024 : i32
      %mul3A_129 = arith.muli %add3A_127, %mul3A_128 : i32
      %dma_start3A_130 = arith.constant 0 : i32
      %dma_start3A_131 = tpu.memref_slice %arg7[%dma_start3A_130] : memref<47104xf32, #tpu.memory_space<vmem>> -> memref<23552xf32, #tpu.memory_space<vmem>>
      %dma_start3A_132 = tpu.memref_slice %arg4[%mul3A_129] : memref<51200000xf32, #tpu.memory_space<hbm>> -> memref<23552xf32, #tpu.memory_space<hbm>>
      %dma_start3A_133 = tpu.memref_slice %arg4[%mul3A_129] : memref<51200000xf32, #tpu.memory_space<hbm>> -> memref<23552xf32, #tpu.memory_space<hbm>>
      %dma_start3A_134 = arith.constant 0 : i32
      %dma_start3A_135 = tpu.memref_slice %arg7[%dma_start3A_134] : memref<47104xf32, #tpu.memory_space<vmem>> -> memref<23552xf32, #tpu.memory_space<vmem>>
      tpu.enqueue_dma source(%dma_start3A_135 : memref<23552xf32, #tpu.memory_space<vmem>>) target(%dma_start3A_133 : memref<23552xf32, #tpu.memory_space<hbm>>) target_semaphore(%arg12 : memref<!tpu.dma_semaphore, #tpu.memory_space<semaphore_mem>>)
      %add3A_136 = arith.constant 25000 : i32
      %add3A_137 = arith.addi %add3A_136, %add3A_125 : i32
      %mul3A_138 = arith.constant 1024 : i32
      %mul3A_139 = arith.muli %add3A_137, %mul3A_138 : i32
      %dma_start3A_140 = arith.constant 23552 : i32
      %dma_start3A_141 = tpu.memref_slice %arg7[%dma_start3A_140] : memref<47104xf32, #tpu.memory_space<vmem>> -> memref<23552xf32, #tpu.memory_space<vmem>>
      %dma_start3A_142 = tpu.memref_slice %arg4[%mul3A_139] : memref<51200000xf32, #tpu.memory_space<hbm>> -> memref<23552xf32, #tpu.memory_space<hbm>>
      %dma_start3A_143 = tpu.memref_slice %arg4[%mul3A_139] : memref<51200000xf32, #tpu.memory_space<hbm>> -> memref<23552xf32, #tpu.memory_space<hbm>>
      %dma_start3A_144 = arith.constant 23552 : i32
      %dma_start3A_145 = tpu.memref_slice %arg7[%dma_start3A_144] : memref<47104xf32, #tpu.memory_space<vmem>> -> memref<23552xf32, #tpu.memory_space<vmem>>
      tpu.enqueue_dma source(%dma_start3A_145 : memref<23552xf32, #tpu.memory_space<vmem>>) target(%dma_start3A_143 : memref<23552xf32, #tpu.memory_space<hbm>>) target_semaphore(%arg12 : memref<!tpu.dma_semaphore, #tpu.memory_space<semaphore_mem>>)
      %add3A_146 = arith.constant 2 : i32
      %add3A_147 = arith.addi %mul3A_111, %add3A_146 : i32
      %lt3A = arith.constant 34 : i32
      %lt3A_148 = arith.cmpi slt, %add3A_147, %lt3A : i32
      %convert_element_type3A_149 = arith.extui %lt3A_148 : i1 to i32
      %cond3A_150 = arith.constant 0 : i32
      %cond3A_151 = arith.cmpi ne, %convert_element_type3A_149, %cond3A_150 : i32
      scf.if %cond3A_151 {
        %add3A_201 = arith.constant 2 : i32
        %add3A_202 = arith.addi %mul3A_111, %add3A_201 : i32
        %mul3A_203 = arith.constant 23 : i32
        %mul3A_204 = arith.muli %add3A_202, %mul3A_203 : i32
        %add3A_205 = arith.addi %select_n3A, %mul3A_204 : i32
        %mul3A_206 = arith.constant 128 : i32
        %mul3A_207 = arith.muli %add3A_205, %mul3A_206 : i32
        %dma_start3A_208 = tpu.memref_slice %arg2[%mul3A_207] : memref<3200000xi32, #tpu.memory_space<hbm>> -> memref<2944xi32, #tpu.memory_space<hbm>>
        %dma_start3A_209 = tpu.memref_slice %arg2[%mul3A_207] : memref<3200000xi32, #tpu.memory_space<hbm>> -> memref<2944xi32, #tpu.memory_space<hbm>>
        tpu.enqueue_dma source(%dma_start3A_209 : memref<2944xi32, #tpu.memory_space<hbm>>) target(%arg5 : memref<2944xi32, #tpu.memory_space<vmem>>) target_semaphore(%arg10 : memref<!tpu.dma_semaphore, #tpu.memory_space<semaphore_mem>>)
      } else {
      }
      %gt3A_152 = arith.constant 0 : i32
      %gt3A_153 = arith.cmpi sgt, %scan3A_109, %gt3A_152 : i32
      %convert_element_type3A_154 = arith.extui %gt3A_153 : i1 to i32
      %cond3A_155 = arith.constant 0 : i32
      %cond3A_156 = arith.cmpi ne, %convert_element_type3A_154, %cond3A_155 : i32
      scf.if %cond3A_156 {
        %sub3A_201 = arith.constant 1 : i32
        %sub3A_202 = arith.subi %mul3A_111, %sub3A_201 : i32
        %mul3A_203 = arith.constant 23 : i32
        %mul3A_204 = arith.muli %sub3A_202, %mul3A_203 : i32
        %add3A_205 = arith.addi %select_n3A, %mul3A_204 : i32
        %add3A_206 = arith.constant 0 : i32
        %add3A_207 = arith.addi %add3A_206, %add3A_205 : i32
        %mul3A_208 = arith.constant 1024 : i32
        %mul3A_209 = arith.muli %add3A_207, %mul3A_208 : i32
        %dma_wait3A_210 = arith.constant 0 : i32
        %dma_wait3A_211 = tpu.memref_slice %arg8[%dma_wait3A_210] : memref<47104xf32, #tpu.memory_space<vmem>> -> memref<23552xf32, #tpu.memory_space<vmem>>
        %dma_wait3A_212 = tpu.memref_slice %arg4[%mul3A_209] : memref<51200000xf32, #tpu.memory_space<hbm>> -> memref<23552xf32, #tpu.memory_space<hbm>>
        %dma_wait3A_213 = tpu.memref_slice %arg4[%mul3A_209] : memref<51200000xf32, #tpu.memory_space<hbm>> -> memref<23552xf32, #tpu.memory_space<hbm>>
        %dma_wait3A_214 = arith.constant 0 : i32
        %dma_wait3A_215 = tpu.memref_slice %arg8[%dma_wait3A_214] : memref<47104xf32, #tpu.memory_space<vmem>> -> memref<23552xf32, #tpu.memory_space<vmem>>
        tpu.wait_dma2 semaphore(%arg13 : memref<!tpu.dma_semaphore, #tpu.memory_space<semaphore_mem>>) src(%dma_wait3A_215 : memref<23552xf32, #tpu.memory_space<vmem>>) dst(%dma_wait3A_213 : memref<23552xf32, #tpu.memory_space<hbm>>)
        %add3A_216 = arith.constant 25000 : i32
        %add3A_217 = arith.addi %add3A_216, %add3A_205 : i32
        %mul3A_218 = arith.constant 1024 : i32
        %mul3A_219 = arith.muli %add3A_217, %mul3A_218 : i32
        %dma_wait3A_220 = arith.constant 23552 : i32
        %dma_wait3A_221 = tpu.memref_slice %arg8[%dma_wait3A_220] : memref<47104xf32, #tpu.memory_space<vmem>> -> memref<23552xf32, #tpu.memory_space<vmem>>
        %dma_wait3A_222 = tpu.memref_slice %arg4[%mul3A_219] : memref<51200000xf32, #tpu.memory_space<hbm>> -> memref<23552xf32, #tpu.memory_space<hbm>>
        %dma_wait3A_223 = tpu.memref_slice %arg4[%mul3A_219] : memref<51200000xf32, #tpu.memory_space<hbm>> -> memref<23552xf32, #tpu.memory_space<hbm>>
        %dma_wait3A_224 = arith.constant 23552 : i32
        %dma_wait3A_225 = tpu.memref_slice %arg8[%dma_wait3A_224] : memref<47104xf32, #tpu.memory_space<vmem>> -> memref<23552xf32, #tpu.memory_space<vmem>>
        tpu.wait_dma2 semaphore(%arg13 : memref<!tpu.dma_semaphore, #tpu.memory_space<semaphore_mem>>) src(%dma_wait3A_225 : memref<23552xf32, #tpu.memory_space<vmem>>) dst(%dma_wait3A_223 : memref<23552xf32, #tpu.memory_space<hbm>>)
      } else {
      }
      %add3A_157 = arith.constant 1 : i32
      %add3A_158 = arith.addi %mul3A_111, %add3A_157 : i32
      %mul3A_159 = arith.constant 23 : i32
      %mul3A_160 = arith.muli %add3A_158, %mul3A_159 : i32
      %add3A_161 = arith.addi %select_n3A, %mul3A_160 : i32
      %mul3A_162 = arith.constant 128 : i32
      %mul3A_163 = arith.muli %add3A_161, %mul3A_162 : i32
      %dma_wait3A_164 = tpu.memref_slice %arg2[%mul3A_163] : memref<3200000xi32, #tpu.memory_space<hbm>> -> memref<2944xi32, #tpu.memory_space<hbm>>
      %dma_wait3A_165 = tpu.memref_slice %arg2[%mul3A_163] : memref<3200000xi32, #tpu.memory_space<hbm>> -> memref<2944xi32, #tpu.memory_space<hbm>>
      tpu.wait_dma2 semaphore(%arg11 : memref<!tpu.dma_semaphore, #tpu.memory_space<semaphore_mem>>) src(%dma_wait3A_165 : memref<2944xi32, #tpu.memory_space<hbm>>) dst(%arg6 : memref<2944xi32, #tpu.memory_space<vmem>>)
      %parallel_loop3A_166 = arith.constant 0 : i32
      %parallel_loop3A_167 = arith.constant 2944 : i32
      %parallel_loop3A_168 = arith.constant 16 : i32
      scf.for %parallel_loop3A_201 = %parallel_loop3A_166 to %parallel_loop3A_167 step %parallel_loop3A_168  : i32 {
        %parallel_loop3A_202 = arith.constant 7 : i32
        %parallel_loop3A_203 = arith.shrsi %parallel_loop3A_201, %parallel_loop3A_202 : i32
        %parallel_loop3A_204 = arith.constant 10 : i32
        %parallel_loop3A_205 = arith.shli %parallel_loop3A_203, %parallel_loop3A_204 : i32
        %parallel_loop3A_206 = arith.constant 127 : i32
        %parallel_loop3A_207 = arith.andi %parallel_loop3A_201, %parallel_loop3A_206 : i32
        %parallel_loop3A_208 = arith.addi %parallel_loop3A_205, %parallel_loop3A_207 : i32
        %parallel_loop3A_209 = arith.index_cast %parallel_loop3A_201 : i32 to index
        %parallel_loop3A_210 = tpu.vector_load %arg6[%parallel_loop3A_209] {strides = array<i32>} : memref<2944xi32, #tpu.memory_space<vmem>>, vector<16xi32>,
        %parallel_loop3A_211 = tpu.vector_load_idx %arg9[%broadcast_in_dim3A_19, %parallel_loop3A_210] : memref<16x1000xf32, #tpu.memory_space<vmem>>[vector<16xi32>, vector<16xi32>], vector<16xf32>,
        %parallel_loop3A_212 = arith.constant 0 : i32
        %parallel_loop3A_213 = arith.addi %parallel_loop3A_208, %parallel_loop3A_212 : i32
        %parallel_loop3A_214 = arith.index_cast %parallel_loop3A_213 : i32 to index
        %parallel_loop3A_215 = tpu.vector_load %arg8[%parallel_loop3A_214] {strides = array<i32>} : memref<47104xf32, #tpu.memory_space<vmem>>, vector<16xf32>,
        tpu.vector_store %arg8[%parallel_loop3A_214], %parallel_loop3A_211 {strides = array<i32>} : memref<47104xf32, #tpu.memory_space<vmem>>, vector<16xf32>,
        %parallel_loop3A_216 = tpu.vector_load_idx %arg9[%broadcast_in_dim3A_21, %parallel_loop3A_210] : memref<16x1000xf32, #tpu.memory_space<vmem>>[vector<16xi32>, vector<16xi32>], vector<16xf32>,
        %parallel_loop3A_217 = arith.constant 128 : i32
        %parallel_loop3A_218 = arith.addi %parallel_loop3A_208, %parallel_loop3A_217 : i32
        %parallel_loop3A_219 = arith.index_cast %parallel_loop3A_218 : i32 to index
        %parallel_loop3A_220 = tpu.vector_load %arg8[%parallel_loop3A_219] {strides = array<i32>} : memref<47104xf32, #tpu.memory_space<vmem>>, vector<16xf32>,
        tpu.vector_store %arg8[%parallel_loop3A_219], %parallel_loop3A_216 {strides = array<i32>} : memref<47104xf32, #tpu.memory_space<vmem>>, vector<16xf32>,
        %parallel_loop3A_221 = tpu.vector_load_idx %arg9[%broadcast_in_dim3A_23, %parallel_loop3A_210] : memref<16x1000xf32, #tpu.memory_space<vmem>>[vector<16xi32>, vector<16xi32>], vector<16xf32>,
        %parallel_loop3A_222 = arith.constant 256 : i32
        %parallel_loop3A_223 = arith.addi %parallel_loop3A_208, %parallel_loop3A_222 : i32
        %parallel_loop3A_224 = arith.index_cast %parallel_loop3A_223 : i32 to index
        %parallel_loop3A_225 = tpu.vector_load %arg8[%parallel_loop3A_224] {strides = array<i32>} : memref<47104xf32, #tpu.memory_space<vmem>>, vector<16xf32>,
        tpu.vector_store %arg8[%parallel_loop3A_224], %parallel_loop3A_221 {strides = array<i32>} : memref<47104xf32, #tpu.memory_space<vmem>>, vector<16xf32>,
        %parallel_loop3A_226 = tpu.vector_load_idx %arg9[%broadcast_in_dim3A_25, %parallel_loop3A_210] : memref<16x1000xf32, #tpu.memory_space<vmem>>[vector<16xi32>, vector<16xi32>], vector<16xf32>,
        %parallel_loop3A_227 = arith.constant 384 : i32
        %parallel_loop3A_228 = arith.addi %parallel_loop3A_208, %parallel_loop3A_227 : i32
        %parallel_loop3A_229 = arith.index_cast %parallel_loop3A_228 : i32 to index
        %parallel_loop3A_230 = tpu.vector_load %arg8[%parallel_loop3A_229] {strides = array<i32>} : memref<47104xf32, #tpu.memory_space<vmem>>, vector<16xf32>,
        tpu.vector_store %arg8[%parallel_loop3A_229], %parallel_loop3A_226 {strides = array<i32>} : memref<47104xf32, #tpu.memory_space<vmem>>, vector<16xf32>,
        %parallel_loop3A_231 = tpu.vector_load_idx %arg9[%broadcast_in_dim3A_27, %parallel_loop3A_210] : memref<16x1000xf32, #tpu.memory_space<vmem>>[vector<16xi32>, vector<16xi32>], vector<16xf32>,
        %parallel_loop3A_232 = arith.constant 512 : i32
        %parallel_loop3A_233 = arith.addi %parallel_loop3A_208, %parallel_loop3A_232 : i32
        %parallel_loop3A_234 = arith.index_cast %parallel_loop3A_233 : i32 to index
        %parallel_loop3A_235 = tpu.vector_load %arg8[%parallel_loop3A_234] {strides = array<i32>} : memref<47104xf32, #tpu.memory_space<vmem>>, vector<16xf32>,
        tpu.vector_store %arg8[%parallel_loop3A_234], %parallel_loop3A_231 {strides = array<i32>} : memref<47104xf32, #tpu.memory_space<vmem>>, vector<16xf32>,
        %parallel_loop3A_236 = tpu.vector_load_idx %arg9[%broadcast_in_dim3A_29, %parallel_loop3A_210] : memref<16x1000xf32, #tpu.memory_space<vmem>>[vector<16xi32>, vector<16xi32>], vector<16xf32>,
        %parallel_loop3A_237 = arith.constant 640 : i32
        %parallel_loop3A_238 = arith.addi %parallel_loop3A_208, %parallel_loop3A_237 : i32
        %parallel_loop3A_239 = arith.index_cast %parallel_loop3A_238 : i32 to index
        %parallel_loop3A_240 = tpu.vector_load %arg8[%parallel_loop3A_239] {strides = array<i32>} : memref<47104xf32, #tpu.memory_space<vmem>>, vector<16xf32>,
        tpu.vector_store %arg8[%parallel_loop3A_239], %parallel_loop3A_236 {strides = array<i32>} : memref<47104xf32, #tpu.memory_space<vmem>>, vector<16xf32>,
        %parallel_loop3A_241 = tpu.vector_load_idx %arg9[%broadcast_in_dim3A_31, %parallel_loop3A_210] : memref<16x1000xf32, #tpu.memory_space<vmem>>[vector<16xi32>, vector<16xi32>], vector<16xf32>,
        %parallel_loop3A_242 = arith.constant 768 : i32
        %parallel_loop3A_243 = arith.addi %parallel_loop3A_208, %parallel_loop3A_242 : i32
        %parallel_loop3A_244 = arith.index_cast %parallel_loop3A_243 : i32 to index
        %parallel_loop3A_245 = tpu.vector_load %arg8[%parallel_loop3A_244] {strides = array<i32>} : memref<47104xf32, #tpu.memory_space<vmem>>, vector<16xf32>,
        tpu.vector_store %arg8[%parallel_loop3A_244], %parallel_loop3A_241 {strides = array<i32>} : memref<47104xf32, #tpu.memory_space<vmem>>, vector<16xf32>,
        %parallel_loop3A_246 = tpu.vector_load_idx %arg9[%broadcast_in_dim3A_33, %parallel_loop3A_210] : memref<16x1000xf32, #tpu.memory_space<vmem>>[vector<16xi32>, vector<16xi32>], vector<16xf32>,
        %parallel_loop3A_247 = arith.constant 896 : i32
        %parallel_loop3A_248 = arith.addi %parallel_loop3A_208, %parallel_loop3A_247 : i32
        %parallel_loop3A_249 = arith.index_cast %parallel_loop3A_248 : i32 to index
        %parallel_loop3A_250 = tpu.vector_load %arg8[%parallel_loop3A_249] {strides = array<i32>} : memref<47104xf32, #tpu.memory_space<vmem>>, vector<16xf32>,
        tpu.vector_store %arg8[%parallel_loop3A_249], %parallel_loop3A_246 {strides = array<i32>} : memref<47104xf32, #tpu.memory_space<vmem>>, vector<16xf32>,
        %parallel_loop3A_251 = tpu.vector_load_idx %arg9[%broadcast_in_dim3A_35, %parallel_loop3A_210] : memref<16x1000xf32, #tpu.memory_space<vmem>>[vector<16xi32>, vector<16xi32>], vector<16xf32>,
        %parallel_loop3A_252 = arith.constant 23552 : i32
        %parallel_loop3A_253 = arith.addi %parallel_loop3A_208, %parallel_loop3A_252 : i32
        %parallel_loop3A_254 = arith.index_cast %parallel_loop3A_253 : i32 to index
        %parallel_loop3A_255 = tpu.vector_load %arg8[%parallel_loop3A_254] {strides = array<i32>} : memref<47104xf32, #tpu.memory_space<vmem>>, vector<16xf32>,
        tpu.vector_store %arg8[%parallel_loop3A_254], %parallel_loop3A_251 {strides = array<i32>} : memref<47104xf32, #tpu.memory_space<vmem>>, vector<16xf32>,
        %parallel_loop3A_256 = tpu.vector_load_idx %arg9[%broadcast_in_dim3A_37, %parallel_loop3A_210] : memref<16x1000xf32, #tpu.memory_space<vmem>>[vector<16xi32>, vector<16xi32>], vector<16xf32>,
        %parallel_loop3A_257 = arith.constant 23680 : i32
        %parallel_loop3A_258 = arith.addi %parallel_loop3A_208, %parallel_loop3A_257 : i32
        %parallel_loop3A_259 = arith.index_cast %parallel_loop3A_258 : i32 to index
        %parallel_loop3A_260 = tpu.vector_load %arg8[%parallel_loop3A_259] {strides = array<i32>} : memref<47104xf32, #tpu.memory_space<vmem>>, vector<16xf32>,
        tpu.vector_store %arg8[%parallel_loop3A_259], %parallel_loop3A_256 {strides = array<i32>} : memref<47104xf32, #tpu.memory_space<vmem>>, vector<16xf32>,
        %parallel_loop3A_261 = tpu.vector_load_idx %arg9[%broadcast_in_dim3A_39, %parallel_loop3A_210] : memref<16x1000xf32, #tpu.memory_space<vmem>>[vector<16xi32>, vector<16xi32>], vector<16xf32>,
        %parallel_loop3A_262 = arith.constant 23808 : i32
        %parallel_loop3A_263 = arith.addi %parallel_loop3A_208, %parallel_loop3A_262 : i32
        %parallel_loop3A_264 = arith.index_cast %parallel_loop3A_263 : i32 to index
        %parallel_loop3A_265 = tpu.vector_load %arg8[%parallel_loop3A_264] {strides = array<i32>} : memref<47104xf32, #tpu.memory_space<vmem>>, vector<16xf32>,
        tpu.vector_store %arg8[%parallel_loop3A_264], %parallel_loop3A_261 {strides = array<i32>} : memref<47104xf32, #tpu.memory_space<vmem>>, vector<16xf32>,
        %parallel_loop3A_266 = tpu.vector_load_idx %arg9[%broadcast_in_dim3A_41, %parallel_loop3A_210] : memref<16x1000xf32, #tpu.memory_space<vmem>>[vector<16xi32>, vector<16xi32>], vector<16xf32>,
        %parallel_loop3A_267 = arith.constant 23936 : i32
        %parallel_loop3A_268 = arith.addi %parallel_loop3A_208, %parallel_loop3A_267 : i32
        %parallel_loop3A_269 = arith.index_cast %parallel_loop3A_268 : i32 to index
        %parallel_loop3A_270 = tpu.vector_load %arg8[%parallel_loop3A_269] {strides = array<i32>} : memref<47104xf32, #tpu.memory_space<vmem>>, vector<16xf32>,
        tpu.vector_store %arg8[%parallel_loop3A_269], %parallel_loop3A_266 {strides = array<i32>} : memref<47104xf32, #tpu.memory_space<vmem>>, vector<16xf32>,
        %parallel_loop3A_271 = tpu.vector_load_idx %arg9[%broadcast_in_dim3A_43, %parallel_loop3A_210] : memref<16x1000xf32, #tpu.memory_space<vmem>>[vector<16xi32>, vector<16xi32>], vector<16xf32>,
        %parallel_loop3A_272 = arith.constant 24064 : i32
        %parallel_loop3A_273 = arith.addi %parallel_loop3A_208, %parallel_loop3A_272 : i32
        %parallel_loop3A_274 = arith.index_cast %parallel_loop3A_273 : i32 to index
        %parallel_loop3A_275 = tpu.vector_load %arg8[%parallel_loop3A_274] {strides = array<i32>} : memref<47104xf32, #tpu.memory_space<vmem>>, vector<16xf32>,
        tpu.vector_store %arg8[%parallel_loop3A_274], %parallel_loop3A_271 {strides = array<i32>} : memref<47104xf32, #tpu.memory_space<vmem>>, vector<16xf32>,
        %parallel_loop3A_276 = tpu.vector_load_idx %arg9[%broadcast_in_dim3A_45, %parallel_loop3A_210] : memref<16x1000xf32, #tpu.memory_space<vmem>>[vector<16xi32>, vector<16xi32>], vector<16xf32>,
        %parallel_loop3A_277 = arith.constant 24192 : i32
        %parallel_loop3A_278 = arith.addi %parallel_loop3A_208, %parallel_loop3A_277 : i32
        %parallel_loop3A_279 = arith.index_cast %parallel_loop3A_278 : i32 to index
        %parallel_loop3A_280 = tpu.vector_load %arg8[%parallel_loop3A_279] {strides = array<i32>} : memref<47104xf32, #tpu.memory_space<vmem>>, vector<16xf32>,
        tpu.vector_store %arg8[%parallel_loop3A_279], %parallel_loop3A_276 {strides = array<i32>} : memref<47104xf32, #tpu.memory_space<vmem>>, vector<16xf32>,
        %parallel_loop3A_281 = tpu.vector_load_idx %arg9[%broadcast_in_dim3A_47, %parallel_loop3A_210] : memref<16x1000xf32, #tpu.memory_space<vmem>>[vector<16xi32>, vector<16xi32>], vector<16xf32>,
        %parallel_loop3A_282 = arith.constant 24320 : i32
        %parallel_loop3A_283 = arith.addi %parallel_loop3A_208, %parallel_loop3A_282 : i32
        %parallel_loop3A_284 = arith.index_cast %parallel_loop3A_283 : i32 to index
        %parallel_loop3A_285 = tpu.vector_load %arg8[%parallel_loop3A_284] {strides = array<i32>} : memref<47104xf32, #tpu.memory_space<vmem>>, vector<16xf32>,
        tpu.vector_store %arg8[%parallel_loop3A_284], %parallel_loop3A_281 {strides = array<i32>} : memref<47104xf32, #tpu.memory_space<vmem>>, vector<16xf32>,
        %parallel_loop3A_286 = tpu.vector_load_idx %arg9[%broadcast_in_dim3A_49, %parallel_loop3A_210] : memref<16x1000xf32, #tpu.memory_space<vmem>>[vector<16xi32>, vector<16xi32>], vector<16xf32>,
        %parallel_loop3A_287 = arith.constant 24448 : i32
        %parallel_loop3A_288 = arith.addi %parallel_loop3A_208, %parallel_loop3A_287 : i32
        %parallel_loop3A_289 = arith.index_cast %parallel_loop3A_288 : i32 to index
        %parallel_loop3A_290 = tpu.vector_load %arg8[%parallel_loop3A_289] {strides = array<i32>} : memref<47104xf32, #tpu.memory_space<vmem>>, vector<16xf32>,
        tpu.vector_store %arg8[%parallel_loop3A_289], %parallel_loop3A_286 {strides = array<i32>} : memref<47104xf32, #tpu.memory_space<vmem>>, vector<16xf32>,
      } {sc.loop_unroll_factor = 2 : i64, sc.parallel_access}
      %add3A_169 = arith.constant 1 : i32
      %add3A_170 = arith.addi %mul3A_111, %add3A_169 : i32
      %mul3A_171 = arith.constant 23 : i32
      %mul3A_172 = arith.muli %add3A_170, %mul3A_171 : i32
      %add3A_173 = arith.addi %select_n3A, %mul3A_172 : i32
      %add3A_174 = arith.constant 0 : i32
      %add3A_175 = arith.addi %add3A_174, %add3A_173 : i32
      %mul3A_176 = arith.constant 1024 : i32
      %mul3A_177 = arith.muli %add3A_175, %mul3A_176 : i32
      %dma_start3A_178 = arith.constant 0 : i32
      %dma_start3A_179 = tpu.memref_slice %arg8[%dma_start3A_178] : memref<47104xf32, #tpu.memory_space<vmem>> -> memref<23552xf32, #tpu.memory_space<vmem>>
      %dma_start3A_180 = tpu.memref_slice %arg4[%mul3A_177] : memref<51200000xf32, #tpu.memory_space<hbm>> -> memref<23552xf32, #tpu.memory_space<hbm>>
      %dma_start3A_181 = tpu.memref_slice %arg4[%mul3A_177] : memref<51200000xf32, #tpu.memory_space<hbm>> -> memref<23552xf32, #tpu.memory_space<hbm>>
      %dma_start3A_182 = arith.constant 0 : i32
      %dma_start3A_183 = tpu.memref_slice %arg8[%dma_start3A_182] : memref<47104xf32, #tpu.memory_space<vmem>> -> memref<23552xf32, #tpu.memory_space<vmem>>
      tpu.enqueue_dma source(%dma_start3A_183 : memref<23552xf32, #tpu.memory_space<vmem>>) target(%dma_start3A_181 : memref<23552xf32, #tpu.memory_space<hbm>>) target_semaphore(%arg13 : memref<!tpu.dma_semaphore, #tpu.memory_space<semaphore_mem>>)
      %add3A_184 = arith.constant 25000 : i32
      %add3A_185 = arith.addi %add3A_184, %add3A_173 : i32
      %mul3A_186 = arith.constant 1024 : i32
      %mul3A_187 = arith.muli %add3A_185, %mul3A_186 : i32
      %dma_start3A_188 = arith.constant 23552 : i32
      %dma_start3A_189 = tpu.memref_slice %arg8[%dma_start3A_188] : memref<47104xf32, #tpu.memory_space<vmem>> -> memref<23552xf32, #tpu.memory_space<vmem>>
      %dma_start3A_190 = tpu.memref_slice %arg4[%mul3A_187] : memref<51200000xf32, #tpu.memory_space<hbm>> -> memref<23552xf32, #tpu.memory_space<hbm>>
      %dma_start3A_191 = tpu.memref_slice %arg4[%mul3A_187] : memref<51200000xf32, #tpu.memory_space<hbm>> -> memref<23552xf32, #tpu.memory_space<hbm>>
      %dma_start3A_192 = arith.constant 23552 : i32
      %dma_start3A_193 = tpu.memref_slice %arg8[%dma_start3A_192] : memref<47104xf32, #tpu.memory_space<vmem>> -> memref<23552xf32, #tpu.memory_space<vmem>>
      tpu.enqueue_dma source(%dma_start3A_193 : memref<23552xf32, #tpu.memory_space<vmem>>) target(%dma_start3A_191 : memref<23552xf32, #tpu.memory_space<hbm>>) target_semaphore(%arg13 : memref<!tpu.dma_semaphore, #tpu.memory_space<semaphore_mem>>)
      %add3A_194 = arith.constant 3 : i32
      %add3A_195 = arith.addi %mul3A_111, %add3A_194 : i32
      %lt3A_196 = arith.constant 34 : i32
      %lt3A_197 = arith.cmpi slt, %add3A_195, %lt3A_196 : i32
      %convert_element_type3A_198 = arith.extui %lt3A_197 : i1 to i32
      %cond3A_199 = arith.constant 0 : i32
      %cond3A_200 = arith.cmpi ne, %convert_element_type3A_198, %cond3A_199 : i32
      scf.if %cond3A_200 {
        %add3A_201 = arith.constant 3 : i32
        %add3A_202 = arith.addi %mul3A_111, %add3A_201 : i32
        %mul3A_203 = arith.constant 23 : i32
        %mul3A_204 = arith.muli %add3A_202, %mul3A_203 : i32
        %add3A_205 = arith.addi %select_n3A, %mul3A_204 : i32
        %mul3A_206 = arith.constant 128 : i32
        %mul3A_207 = arith.muli %add3A_205, %mul3A_206 : i32
        %dma_start3A_208 = tpu.memref_slice %arg2[%mul3A_207] : memref<3200000xi32, #tpu.memory_space<hbm>> -> memref<2944xi32, #tpu.memory_space<hbm>>
        %dma_start3A_209 = tpu.memref_slice %arg2[%mul3A_207] : memref<3200000xi32, #tpu.memory_space<hbm>> -> memref<2944xi32, #tpu.memory_space<hbm>>
        tpu.enqueue_dma source(%dma_start3A_209 : memref<2944xi32, #tpu.memory_space<hbm>>) target(%arg6 : memref<2944xi32, #tpu.memory_space<vmem>>) target_semaphore(%arg11 : memref<!tpu.dma_semaphore, #tpu.memory_space<semaphore_mem>>)
      } else {
      }
    }
    %scan3A_65 = arith.constant 17 : i32
    %add3A_66 = arith.constant 736 : i32
    %add3A_67 = arith.addi %select_n3A, %add3A_66 : i32
    %add3A_68 = arith.constant 0 : i32
    %add3A_69 = arith.addi %add3A_68, %add3A_67 : i32
    %mul3A_70 = arith.constant 1024 : i32
    %mul3A_71 = arith.muli %add3A_69, %mul3A_70 : i32
    %dma_wait3A = arith.constant 0 : i32
    %dma_wait3A_72 = tpu.memref_slice %arg7[%dma_wait3A] : memref<47104xf32, #tpu.memory_space<vmem>> -> memref<23552xf32, #tpu.memory_space<vmem>>
    %dma_wait3A_73 = tpu.memref_slice %arg4[%mul3A_71] : memref<51200000xf32, #tpu.memory_space<hbm>> -> memref<23552xf32, #tpu.memory_space<hbm>>
    %dma_wait3A_74 = tpu.memref_slice %arg4[%mul3A_71] : memref<51200000xf32, #tpu.memory_space<hbm>> -> memref<23552xf32, #tpu.memory_space<hbm>>
    %dma_wait3A_75 = arith.constant 0 : i32
    %dma_wait3A_76 = tpu.memref_slice %arg7[%dma_wait3A_75] : memref<47104xf32, #tpu.memory_space<vmem>> -> memref<23552xf32, #tpu.memory_space<vmem>>
    tpu.wait_dma2 semaphore(%arg12 : memref<!tpu.dma_semaphore, #tpu.memory_space<semaphore_mem>>) src(%dma_wait3A_76 : memref<23552xf32, #tpu.memory_space<vmem>>) dst(%dma_wait3A_74 : memref<23552xf32, #tpu.memory_space<hbm>>)
    %add3A_77 = arith.constant 25000 : i32
    %add3A_78 = arith.addi %add3A_77, %add3A_67 : i32
    %mul3A_79 = arith.constant 1024 : i32
    %mul3A_80 = arith.muli %add3A_78, %mul3A_79 : i32
    %dma_wait3A_81 = arith.constant 23552 : i32
    %dma_wait3A_82 = tpu.memref_slice %arg7[%dma_wait3A_81] : memref<47104xf32, #tpu.memory_space<vmem>> -> memref<23552xf32, #tpu.memory_space<vmem>>
    %dma_wait3A_83 = tpu.memref_slice %arg4[%mul3A_80] : memref<51200000xf32, #tpu.memory_space<hbm>> -> memref<23552xf32, #tpu.memory_space<hbm>>
    %dma_wait3A_84 = tpu.memref_slice %arg4[%mul3A_80] : memref<51200000xf32, #tpu.memory_space<hbm>> -> memref<23552xf32, #tpu.memory_space<hbm>>
    %dma_wait3A_85 = arith.constant 23552 : i32
    %dma_wait3A_86 = tpu.memref_slice %arg7[%dma_wait3A_85] : memref<47104xf32, #tpu.memory_space<vmem>> -> memref<23552xf32, #tpu.memory_space<vmem>>
    tpu.wait_dma2 semaphore(%arg12 : memref<!tpu.dma_semaphore, #tpu.memory_space<semaphore_mem>>) src(%dma_wait3A_86 : memref<23552xf32, #tpu.memory_space<vmem>>) dst(%dma_wait3A_84 : memref<23552xf32, #tpu.memory_space<hbm>>)
    %add3A_87 = arith.constant 759 : i32
    %add3A_88 = arith.addi %select_n3A, %add3A_87 : i32
    %add3A_89 = arith.constant 0 : i32
    %add3A_90 = arith.addi %add3A_89, %add3A_88 : i32
    %mul3A_91 = arith.constant 1024 : i32
    %mul3A_92 = arith.muli %add3A_90, %mul3A_91 : i32
    %dma_wait3A_93 = arith.constant 0 : i32
    %dma_wait3A_94 = tpu.memref_slice %arg8[%dma_wait3A_93] : memref<47104xf32, #tpu.memory_space<vmem>> -> memref<23552xf32, #tpu.memory_space<vmem>>
    %dma_wait3A_95 = tpu.memref_slice %arg4[%mul3A_92] : memref<51200000xf32, #tpu.memory_space<hbm>> -> memref<23552xf32, #tpu.memory_space<hbm>>
    %dma_wait3A_96 = tpu.memref_slice %arg4[%mul3A_92] : memref<51200000xf32, #tpu.memory_space<hbm>> -> memref<23552xf32, #tpu.memory_space<hbm>>
    %dma_wait3A_97 = arith.constant 0 : i32
    %dma_wait3A_98 = tpu.memref_slice %arg8[%dma_wait3A_97] : memref<47104xf32, #tpu.memory_space<vmem>> -> memref<23552xf32, #tpu.memory_space<vmem>>
    tpu.wait_dma2 semaphore(%arg13 : memref<!tpu.dma_semaphore, #tpu.memory_space<semaphore_mem>>) src(%dma_wait3A_98 : memref<23552xf32, #tpu.memory_space<vmem>>) dst(%dma_wait3A_96 : memref<23552xf32, #tpu.memory_space<hbm>>)
    %add3A_99 = arith.constant 25000 : i32
    %add3A_100 = arith.addi %add3A_99, %add3A_88 : i32
    %mul3A_101 = arith.constant 1024 : i32
    %mul3A_102 = arith.muli %add3A_100, %mul3A_101 : i32
    %dma_wait3A_103 = arith.constant 23552 : i32
    %dma_wait3A_104 = tpu.memref_slice %arg8[%dma_wait3A_103] : memref<47104xf32, #tpu.memory_space<vmem>> -> memref<23552xf32, #tpu.memory_space<vmem>>
    %dma_wait3A_105 = tpu.memref_slice %arg4[%mul3A_102] : memref<51200000xf32, #tpu.memory_space<hbm>> -> memref<23552xf32, #tpu.memory_space<hbm>>
    %dma_wait3A_106 = tpu.memref_slice %arg4[%mul3A_102] : memref<51200000xf32, #tpu.memory_space<hbm>> -> memref<23552xf32, #tpu.memory_space<hbm>>
    %dma_wait3A_107 = arith.constant 23552 : i32
    %dma_wait3A_108 = tpu.memref_slice %arg8[%dma_wait3A_107] : memref<47104xf32, #tpu.memory_space<vmem>> -> memref<23552xf32, #tpu.memory_space<vmem>>
    tpu.wait_dma2 semaphore(%arg13 : memref<!tpu.dma_semaphore, #tpu.memory_space<semaphore_mem>>) src(%dma_wait3A_108 : memref<23552xf32, #tpu.memory_space<vmem>>) dst(%dma_wait3A_106 : memref<23552xf32, #tpu.memory_space<hbm>>)
    return
  }
}

</mosaic_0001>

<sc_bundles>
// kernel: kernel.3.cloned.1.call-start
scs
__scs_entry_jumppad:
0x0: {  	(pc) =	sbr.rel $0x88, $3  }
0x1: {  	(tag) =	ssettag $0x0;
	lr =	simm.s32 $0x1  }
0x2: {  	[smem:$0x3F9F] =	sst lr;
	_ =	strace $0xD0000000  }
0x3: {  	_ = 	snop  }
0x4: {  	_ = 	snop  }
0x5: {  	_ = 	snop  }
0x6: {  	_ = 	snop  }
0x7: {  	_ = 	snop  }
__scs_overlays_trampoline_lowered:
0x8: {  	[smem:$0x3FAE] =	sst s0  }
0x9: {  	[smem:$0x3FAF] =	sst s1  }
0xa: {  	[smem:$0x3FB0] =	sst s2  }
0xb: {  	[smem:$0x3FB1] =	sst s3  }
0xc: {  	[smem:$0x3FB2] =	sst s4  }
0xd: {  	[smem:$0x3FB3] =	sst s5  }
0xe: {  	[smem:$0x3FB4] =	sst s6  }
0xf: {  	[smem:$0x3FB5] =	sst s7  }
0x10: {  	[smem:$0x3FB6] =	sst s8  }
0x11: {  	[smem:$0x3FB7] =	sst s9;
	s0 =	simm.s32 @!p0 $0x0  }
0x12: {  	s1 =	sld [smem:$0x3F9D];
	s0 =	simm.s32 @p0 $0x1  }
0x13: {  	[smem:$0x3FB8] =	sst s0;
	s0 =	simm.s32 @!p1 $0x0  }
0x14: {  	s2 =	sld [smem:$0x3F9C];
	s0 =	simm.s32 @p1 $0x1  }
0x15: {  	[smem:$0x3FB9] =	sst s0;
	s0 =	simm.s32 @!p2 $0x0  }
0x16: {  	s3 =	sld [smem:$0x3FDB];
	s0 =	simm.s32 @p2 $0x1  }
0x17: {  	s4 =	simm.s32 $0x1BF5;
	[smem:$0x3FBB] =	sst s0  }
0x18: {  	s0 =	sld [smem:$0x3F9E];
	_ =	swait.ge [sflag:s4], $0x0  }
0x19: {  	s7 =	sld [smem:$0x3F9F]  }
0x1a: {  	s8 =	sadd.s32 $0xFFFFE003, lr  }
0x1b: {  	s9 =	sadd.s32 $0xFFFFFEF7, lr;
	s5 =	simm.s32 $0xFFFFFFFF;
	p2 =	slt.u32 s8, $0xFFFFF086  }
0x1c: {  	p1 =	slt.u32 s9, $0xF7A;
	s5 =	simm.s32 @!p2 $0x0  }
0x1d: {  	s5 =	simm.s32 @p1 $0x1;
	p0 =	seq.s32 s7, s2  }
0x1e: {  	s7 =	smul.u32 @!p0 $0xF7A, s2;
	p2 =	seq.s32 @!p0 s5, $0x0  }
0x1f: {  	s9 =	smul.u32 $0xF7A, s1;
	s8 =	simm.s32 @!p0 $0x1BF5;
	p2 =	por !p2, p0  }
0x20: {  	[sflag:s8] =	ssyncset.s32 @!p0 $0xFFFFF086;
	s6 =	sadd.s32 @!p0 s3, s7;
	s7 =	simm.s32 @!p0 $0x108  }
0x21: {  	s3 =	sadd.s32 s3, s9;
	s6 =	sadd.s32 @!p0 $0x88, s6;
	s7 =	simm.s32 @p2 $0x1082  }
0x22: {  	[simem:s7], [sflag:s8] =	dma.local @!p0 [hbm:s6], $0xF7A  }
0x23: {  	s9 =	sor.u32 $0xD0000000, s2;
	s6 =	simm.s32 $0x108;
	_ =	swait.ge @!p0 [sflag:s8], $0x0  }
0x24: {  	s3 =	sadd.s32 $0x88, s3;
	s6 =	simm.s32 @!p1 $0x1082;
	[sflag:s4] =	ssyncset.s32 $0xFFFFF086  }
0x25: {  	[simem:s6], [sflag:s4] =	dma.local [hbm:s3], $0xF7A  }
0x26: {  	[smem:$0x3F9F] =	sst s1;
	(tag) =	ssettag s2;
	_ =	strace s9  }
0x27: {  	s1 =	sld [smem:$0x3FAF]  }
0x28: {  	s2 =	sld [smem:$0x3FB0]  }
0x29: {  	s4 =	sld [smem:$0x3FB2]  }
0x2a: {  	p0 =	seq.s32 s5, $0x0;
	s5 =	sld [smem:$0x3FB3]  }
0x2b: {  	s6 =	sld [smem:$0x3FB4]  }
0x2c: {  	s7 =	sld [smem:$0x3FB5]  }
0x2d: {  	s3 =	simm.s32 $0x108;
	s8 =	sld [smem:$0x3FB6]  }
0x2e: {  	s3 =	simm.s32 @!p0 $0x1082;
	s9 =	sld [smem:$0x3FB7]  }
0x2f: {  	lr =	sadd.s32 s0, s3;
	s0 =	sld [smem:$0x3FAE]  }
0x30: {  	s3 =	sld [smem:$0x3FB1]  }
0x31: {  	[smem:$0x3FBA] =	sst s10  }
0x32: {  	s10 =	sld [smem:$0x3FB8];
	_ =	sdelay $0x3  }
0x33: {  	p0 =	seq.s32 s10, $0x1;
	s10 =	sld [smem:$0x3FBA];
	_ =	sdelay $0x3  }
0x34: {  	[smem:$0x3FBA] =	sst s10  }
0x35: {  	s10 =	sld [smem:$0x3FB9];
	_ =	sdelay $0x3  }
0x36: {  	p1 =	seq.s32 s10, $0x1;
	s10 =	sld [smem:$0x3FBA];
	_ =	sdelay $0x3  }
0x37: {  	[smem:$0x3FBA] =	sst s10  }
0x38: {  	s10 =	sld [smem:$0x3FBB]  }
0x39: {  	_ = 	snop;
	(pc) =	sbr.ind lr, $3  }
0x3a: {  	_ = 	snop  }
0x3b: {  	_ = 	snop  }
0x3c: {  	p2 =	seq.s32 s10, $0x1;
	s10 =	sld [smem:$0x3FBA]  }
0x3d: {  	_ =	shalt  }
0x3e: {  	_ =	shalt  }
0x3f: {  	_ =	shalt  }
0x40: {  	_ =	shalt  }
0x41: {  	_ =	shalt  }
0x42: {  	_ =	shalt  }
0x43: {  	_ =	shalt  }
0x44: {  	_ =	shalt  }
0x45: {  	_ =	shalt  }
0x46: {  	_ =	shalt  }
0x47: {  	_ =	shalt  }
0x48: {  	_ =	shalt  }
0x49: {  	_ =	shalt  }
0x4a: {  	_ =	shalt  }
0x4b: {  	_ =	shalt  }
0x4c: {  	_ =	shalt  }
0x4d: {  	_ =	shalt  }
0x4e: {  	_ =	shalt  }
0x4f: {  	_ =	shalt  }
0x50: {  	_ =	shalt  }
0x51: {  	_ =	shalt  }
0x52: {  	_ =	shalt  }
0x53: {  	_ =	shalt  }
0x54: {  	_ =	shalt  }
0x55: {  	_ =	shalt  }
0x56: {  	_ =	shalt  }
0x57: {  	_ =	shalt  }
0x58: {  	_ =	shalt  }
0x59: {  	_ =	shalt  }
0x5a: {  	_ =	shalt  }
0x5b: {  	_ =	shalt  }
0x5c: {  	_ =	shalt  }
0x5d: {  	_ =	shalt  }
0x5e: {  	_ =	shalt  }
0x5f: {  	_ =	shalt  }
0x60: {  	_ =	shalt  }
0x61: {  	_ =	shalt  }
0x62: {  	_ =	shalt  }
0x63: {  	_ =	shalt  }
0x64: {  	_ =	shalt  }
0x65: {  	_ =	shalt  }
0x66: {  	_ =	shalt  }
0x67: {  	_ =	shalt  }
0x68: {  	_ =	shalt  }
0x69: {  	_ =	shalt  }
0x6a: {  	_ =	shalt  }
0x6b: {  	_ =	shalt  }
0x6c: {  	_ =	shalt  }
0x6d: {  	_ =	shalt  }
0x6e: {  	_ =	shalt  }
0x6f: {  	_ =	shalt  }
0x70: {  	_ =	shalt  }
0x71: {  	_ =	shalt  }
0x72: {  	_ =	shalt  }
0x73: {  	_ =	shalt  }
0x74: {  	_ =	shalt  }
0x75: {  	_ =	shalt  }
0x76: {  	_ =	shalt  }
0x77: {  	_ =	shalt  }
0x78: {  	_ =	shalt  }
0x79: {  	_ =	shalt  }
0x7a: {  	_ =	shalt  }
0x7b: {  	_ =	shalt  }
0x7c: {  	_ =	shalt  }
0x7d: {  	_ =	shalt  }
0x7e: {  	_ =	shalt  }
0x7f: {  	_ =	shalt  }
0x80: {  	_ =	shalt  }
0x81: {  	_ =	shalt  }
0x82: {  	_ =	shalt  }
0x83: {  	_ =	shalt  }
0x84: {  	_ =	shalt  }
0x85: {  	_ =	shalt  }
0x86: {  	_ =	shalt  }
0x87: {  	_ =	shalt  }
.Lfunc_end0:
.L_simem_size_0:
called_computation_lowered:
.L_overlay_start_0:
0x88: {  	s2 =	sld [smem:$0x3FD9]  }
0x89: {  	s3 =	sld [smem:$0x3FFE];
	_ =	sdelay $0x1  }
0x8a: {  	s1 =	srdreg.scid  }
0x8b: {  	s0 =	sand.u32 $0x1, s1  }
0x8c: {  	s17 =	sshll.u32 s0, $0xA;
	s2 =	sadd.s32 s3, s2  }
0x8d: {  	s2 =	sadd.s32 s2, s17  }
0x8e: {  	[smem:$0x3FC6] =	sst s2  }
0x8f: {  	_ = 	snop  }
0x90: {  	s2 =	sld [smem:$0x3FC9]  }
0x91: {  	s18 =	sld [smem:$0x3FD0];
	(tm) =	ssettm $0x1  }
0x92: {  	s4 =	sld [smem:$0x3FFB];
	_ =	sdelay $0x3  }
0x93: {  	_ =	strace s4  }
0x94: {  	s4 =	sld [smem:$0x3FFC];
	_ =	sdelay $0x3  }
0x95: {  	_ =	strace s4  }
0x96: {  	s4 =	sld [smem:$0x3FFD];
	_ =	sdelay $0x3  }
0x97: {  	_ =	strace s4  }
0x98: {  	_ =	strace $0x8FFFFFFF  }
0x99: {  	s19 =	sld [smem:$0x3FDB];
	_ =	sdelay $0x1  }
0x9a: {  	s5 =	simm.s32 $_scs_section_size  }
0x9b: {  	s6 =	simm.s32 $_size__tile_overlayer_lowered;
	s7 =	simm.s32 $_tile_overlayer_lowered  }
0x9c: {  	s22 =	simm.s32 $0x1BFF;
	s21 =	sshll.u32 s7, $0x1;
	s4 =	sadd.s32 s5, s19  }
0x9d: {  	s8 =	simm.s32 $0x0;
	s20 =	sshll.u32 s6, $0x1;
	s6 =	sadd.s32 s21, s4  }
0x9e: {  	[timem:s8], [sflag:s22] =	dma.local [hbm:s6], s20  }
0x9f: {  	_ =	swait.ge [sflag:s22], s20  }
0xa0: {  	s5 =	ssub.s32 $0x0, s20;
	[sflag:s22] =	ssyncset.done $0x0  }
0xa1: {  	[sflag:s22] =	ssyncadd.s32 s5;
	_ =	sdelay $0x1  }
0xa2: {  	s23 =	simm.s32 $0x1B8B  }
0xa3: {  	_ =	swait.ge [sflag:s23], $0x1  }
0xa4: {  	[sflag:s23] =	ssyncset.done $0x0  }
0xa5: {  	s25 =	simm.s32 $0x1B8E;
	s24 =	sld [smem:$0x3FFE];
	[sflag:s23] =	ssyncadd.s32 $0xFFFFFFFF  }
0xa6: {  	s26 =	simm.s32 $execute0_lowered;
	[smem:$0x3FD2] =	sst s25  }
0xa7: {  	s6 =	sshll.u32 s26, $0x1;
	_ =	strace $0x80000046;
	[dreg:$0x1] =	wrdreg $0xFFFFFFFF  }
0xa8: {  	s28 =	simm.s32 $_size_execute0_lowered;
	s4 =	sadd.s32 s4, s6;
	[dreg:$0x0] =	wrdreg $0x0  }
0xa9: {  	s6 =	sshll.u32 s28, $0x1;
	[dreg:$0x2] =	wrdreg s4  }
0xaa: {  	[dreg:$0x3] =	wrdreg s6  }
0xab: {  	[dreg:$0x4] =	wrdreg $0xC0  }
0xac: {  	_ =	task [dreg:s8], $0x5FFFF  }
0xad: {  	[dreg:$0x1] =	wrdreg $0xFFFFFFFF  }
0xae: {  	[dreg:$0x0] =	wrdreg $0x60  }
0xaf: {  	[dreg:$0x2] =	wrdreg s2  }
0xb0: {  	[dreg:$0x3] =	wrdreg s24  }
0xb1: {  	[dreg:$0x4] =	wrdreg s18  }
0xb2: {  	[dreg:$0x5] =	wrdreg $0x9  }
0xb3: {  	_ =	task.clear_ibuf [dreg:s8], $0x6FFFF;
	_ =	strace $0x90000046  }
0xb4: {  	s29 =	simm.s32 $0x9;
	_ =	strace $0x80000048  }
0xb5: {  	_ =	swait.ge [sflag:s29], $0x1  }
0xb6: {  	[sflag:s29] =	ssyncadd.s32 $0xFFFFFFFF  }
0xb7: {  	_ =	strace $0x90000048  }
0xb8: {  	_ =	sfence  }
0xb9: {  	s30 =	sld [smem:$0x0];
	_ =	sdelay $0x2  }
0xba: {  	s31 =	sshll.u32 s1, $0xD;
	s1 =	sshrl.u32 s1, $0x2  }
0xbb: {  	s3 =	sand.u32 $0x4000, s31;
	s1 =	sadd.s32 s1, s30  }
0xbc: {  	s0 =	sor.u32 s3, s0;
	s1 =	sshll.u32 s1, $0x11  }
0xbd: {  	s0 =	sor.u32 s1, s0  }
0xbe: {  	s0 =	sadd.s32 $0x8F2B, s0  }
0xbf: {  	[sflag:s0] =	ssyncadd.remote.s32 $0x1  }
0xc0: {  	_ =	sfence.sel $0xFFFF  }
0xc1: {  	[dreg:$0x0] =	wrdreg $0xFFFFFFFF;
	(pc) =	sbr.abs _section_cstart, $3  }
0xc2: {  	[dreg:$0x1] =	wrdreg $0xFFFFFFFF  }
0xc3: {  	_ =	task.clear_ibuf [dreg:s8], $0x2FFFF;
	_ =	strace $0x9FFFFFFF  }
0xc4: {  	(tm) =	ssettm $0x7FFFFFFF  }
0xc5: {  	_ =	shalt  }
tec
execute0_lowered:
.L_overlay_start_1:
0x0: {  	(tag) =	ssettag $0x1  }
0x1: {  	s2 =	rddreg [dreg:$0x0]  }
0x2: {  	s0 =	srdreg.scid;
	s6 =	rddreg [dreg:$0x1]  }
0x3: {  	s1 =	stileid.u32;
	s3 =	rddreg [dreg:$0x2];
	s4 =	simm.s32 $0x0  }
0x4: {  	s14 =	simm.s32 $0x18700;
	s17 =	simm.s32 $0x1;
	s18 =	simm.s32 $0x1700  }
0x5: {  	s19 =	simm.s32 $0x7300;
	s0 =	sand.u32 $0x1, s0;
	s1 =	sshll.u32 s1, $0x1  }
0x6: {  	s20 =	simm.s32 $0x2;
	s21 =	simm.s32 $0xCF00;
	s1 =	sor.u32 s0, s1  }
0x7: {  	s22 =	simm.s32 $0x12B00;
	s24 =	simm.s32 $0x4;
	s1 =	smul.u32 $0x5E9A, s1  }
0x8: {  	[smem:$0x7FF] =	sst s4;
	s6 =	sadd.s32 $0x400, s6;
	s0 =	ssub.s32 $0x2, s0  }
0x9: {  	s9 =	sadd.s32 $0x30D400, s3;
	s30 =	sshrl.u32 s0, $0x1;
	s5 =	smulhi.u32 $0x8421085, s1  }
.Ltmp0:
0xa: {  	_ =	strace $0x80000047;
	s0 =	ssub.s32 s0, s30;
	(pc) =	sbr.rel .LBB2_1-.Ltmp0, $4  }
0xb: {  	[dreg:$0x4] =	wrdreg s6;
	s0 =	smax.u32 s0, $0x1;
	s7 =	sshll.u32 s5, $0x4  }
0xc: {  	[dreg:$0x7] =	wrdreg s0;
	s10 =	sadd.s32 $0x2E, s5;
	s31 =	sadd.s32 s2, s7  }
0xd: {  	s11 =	sadd.s32 $0x17, s5;
	[dreg:$0x5] =	wrdreg s31;
	s1 =	sadd.s32 $0x170, s31  }
0xe: {  	s12 =	sadd.s32 $0x45, s5;
	[dreg:$0x6] =	wrdreg s1;
	s1 =	simm.s32 $0x0  }
.LBB2_8:
0xf: {  	s0 =	simm.s32 $0x3  }
0x10: {  	_ =	swait.ge [sflag:s0], $0x5C00  }
0x11: {  	[sflag:s0] =	ssyncset.done $0x0  }
0x12: {  	[sflag:s0] =	ssyncadd.s32 $0xFFFFA400  }
0x13: {  	_ =	swait.ge [sflag:s0], $0x5C00  }
0x14: {  	[sflag:s0] =	ssyncset.done $0x0  }
0x15: {  	[sflag:s0] =	ssyncadd.s32 $0xFFFFA400  }
0x16: {  	_ =	swait.ge [sflag:s24], $0x5C00  }
0x17: {  	[sflag:s24] =	ssyncset.done $0x0  }
0x18: {  	[sflag:s24] =	ssyncadd.s32 $0xFFFFA400  }
0x19: {  	_ =	swait.ge [sflag:s24], $0x5C00  }
0x1a: {  	s1 =	rddreg [dreg:$0x8]  }
0x1b: {  	s31 =	rddreg [dreg:$0x7];
	s1 =	sadd.s32 $0x1, s1  }
0x1c: {  	p0 =	sne.s32 s1, s31  }
.Ltmp1:
0x1d: {  	_ = 	snop;
	(pc) =	sbr.rel @!p0 .LBB2_9-.Ltmp1, $3  }
0x1e: {  	_ =	sdelay $0x1  }
0x1f: {  	[sflag:s24] =	ssyncset.done $0x0  }
0x20: {  	[sflag:s24] =	ssyncadd.s32 $0xFFFFA400  }
.LBB2_1:
0x21: {  	[dreg:$0x8] =	wrdreg s1  }
0x22: {  	s0 =	rddreg [dreg:$0x4];
	s28 =	simm.s32 $0x5  }
0x23: {  	[tilespmem:s14], [sflag:$0x5] =	stream.linear.gather [hbm4b:s0+s4], $0x3E80, $0x38;
	[tilespmem:$0x1C580] =	vst v63  }
0x24: {  	_ =	swait.ge [sflag:s28], $0x3E80  }
0x25: {  	[sflag:s28] =	ssyncset.done $0x0  }
0x26: {  	s29 =	rddreg [dreg:$0x5];
	[sflag:s28] =	ssyncadd.s32 $0xFFFFC180  }
0x27: {  	[tilespmem:s4], [sflag:$0x1] =	stream.linear.gather [hbm4b:s29+s4], $0xB80, $0x38;
	[tilespmem:$0x1C580] =	vst v63  }
0x28: {  	s31 =	simm.s32 $0xB80;
	s26 =	simm.s32 $0x0;
	s30 =	rddreg [dreg:$0x6]  }
0x29: {  	[tilespmem:s31], [sflag:$0x2] =	stream.linear.gather [hbm4b:s30+s4], $0xB80, $0x38;
	[tilespmem:$0x1C580] =	vst v63  }
.LBB2_2:
0x2a: {  	p0 =	seq.s32 s26, $0x0  }
0x2b: {  	s0 =	simm.s32 @!p0 $0x3  }
0x2c: {  	_ =	swait.ge @!p0 [sflag:s0], $0x5C00  }
0x2d: {  	[sflag:s0] =	ssyncset.done @!p0 $0x0  }
0x2e: {  	[sflag:s0] =	ssyncadd.s32 @!p0 $0xFFFFA400  }
0x2f: {  	_ =	swait.ge @!p0 [sflag:s0], $0x5C00  }
0x30: {  	[sflag:s0] =	ssyncset.done @!p0 $0x0  }
0x31: {  	[sflag:s0] =	ssyncadd.s32 @!p0 $0xFFFFA400  }
0x32: {  	_ =	swait.ge [sflag:s17], $0xB80  }
0x33: {  	[sflag:s17] =	ssyncset.done $0x0  }
0x34: {  	s6 =	simm.s32 $0x10;
	[sflag:s17] =	ssyncadd.s32 $0xFFFFF480  }
0x35: {  	v4 =	vld [tilespmem:s6+$0x0];
	_ =	sdelay $0x3  }
0x36: {  	v3 =	vld [tilespmem:s6+$0xFFFFFFF0];
	_ =	sdelay $0x3  }
0x37: {  	v0 =	vld.idx.msk [tilespmem:v4+s14+$0x0], $0xffff  }
0x38: {  	s7 =	simm.s32 $0x0;
	v1 =	vadd.s32 $0x3E8, v4  }
0x39: {  	s1 =	simm.s32 $0x10;
	s0 =	sand.u32 $0x7C00, s7  }
0x3a: {  	s1 =	sand.u32 $0x70, s1;
	s0 =	sadd.s32 $0x1700, s0  }
0x3b: {  	s7 =	sor.u32 s1, s0;
	v2 =	vld.idx.msk [tilespmem:v3+s14+$0x0], $0xffff  }
0x3c: {  	v5 =	vadd.s32 $0x3E8, v3;
	[tilespmem:s7+$0x0] =	vst v0  }
0x3d: {  	s8 =	simm.s32 $0x0;
	v0 =	vld.idx.msk [tilespmem:v1+s14+$0x0], $0xffff  }
0x3e: {  	s1 =	sand.u32 $0x60, s8;
	v1 =	vadd.s32 $0x7D0, v4  }
0x3f: {  	s28 =	sor.u32 s1, s0  }
0x40: {  	[tilespmem:s28+$0x0] =	vst v2  }
0x41: {  	v2 =	vld.idx.msk [tilespmem:v5+s14+$0x0], $0xffff  }
0x42: {  	v5 =	vadd.s32 $0x7D0, v3;
	[tilespmem:s7+$0x80] =	vst v0  }
0x43: {  	v0 =	vld.idx.msk [tilespmem:v1+s14+$0x0], $0xffff  }
0x44: {  	v1 =	vadd.s32 $0xBB8, v4;
	_ =	sdelay $0x1  }
0x45: {  	[tilespmem:s28+$0x80] =	vst v2  }
0x46: {  	v6 =	vld.idx.msk [tilespmem:v5+s14+$0x0], $0xffff  }
0x47: {  	v7 =	vadd.s32 $0xBB8, v3;
	[tilespmem:s7+$0x100] =	vst v0  }
0x48: {  	v1 =	vld.idx.msk [tilespmem:v1+s14+$0x0], $0xffff  }
0x49: {  	v2 =	vadd.s32 $0xFA0, v4  }
0x4a: {  	s13 =	simm.s32 $0x30  }
0x4b: {  	v0 =	vld [tilespmem:s13+$0x0];
	[tilespmem:s28+$0x100] =	vst v6  }
0x4c: {  	v6 =	vld.idx.msk [tilespmem:v7+s14+$0x0], $0xffff  }
0x4d: {  	v7 =	vadd.s32 $0xFA0, v3;
	[tilespmem:s7+$0x180] =	vst v1  }
0x4e: {  	v1 =	vld.idx.msk [tilespmem:v2+s14+$0x0], $0xffff  }
0x4f: {  	v5 =	vld [tilespmem:s13+$0xFFFFFFF0];
	v2 =	vadd.s32 $0x1388, v4;
	_ =	sdelay $0x1  }
0x50: {  	[tilespmem:s28+$0x180] =	vst v6  }
0x51: {  	v7 =	vld.idx.msk [tilespmem:v7+s14+$0x0], $0xffff  }
0x52: {  	v11 =	vadd.s32 $0x1388, v3;
	v8 =	vld.idx.msk [tilespmem:v0+s14+$0x0], $0xffff;
	[tilespmem:s7+$0x200] =	vst v1  }
0x53: {  	s15 =	simm.s32 $0x100;
	v1 =	vld.idx.msk [tilespmem:v2+s14+$0x0], $0xffff;
	v2 =	vadd.s32 $0x3E8, v0  }
0x54: {  	s16 =	simm.s32 $0x30;
	s0 =	sand.u32 $0x7C00, s15  }
0x55: {  	s1 =	sand.u32 $0x70, s16;
	s0 =	sadd.s32 $0x1700, s0;
	v9 =	vadd.s32 $0x1770, v4  }
0x56: {  	s29 =	sor.u32 s1, s0;
	v10 =	vld.idx.msk [tilespmem:v5+s14+$0x0], $0xffff;
	[tilespmem:s28+$0x200] =	vst v7  }
0x57: {  	v6 =	vadd.s32 $0x3E8, v5;
	[tilespmem:s29+$0x0] =	vst v8;
	v7 =	vld.idx.msk [tilespmem:v11+s14+$0x0], $0xffff  }
0x58: {  	s6 =	simm.s32 $0x20;
	v11 =	vadd.s32 $0x1770, v3;
	v2 =	vld.idx.msk [tilespmem:v2+s14+$0x0], $0xffff  }
0x59: {  	s23 =	sand.u32 $0x60, s6;
	v8 =	vadd.s32 $0x7D0, v0;
	[tilespmem:s7+$0x280] =	vst v1  }
0x5a: {  	s30 =	sor.u32 s23, s0;
	v1 =	vld.idx.msk [tilespmem:v9+s14+$0x0], $0xffff  }
0x5b: {  	[tilespmem:s30+$0x0] =	vst v10;
	v9 =	vadd.s32 $0x1B58, v4  }
0x5c: {  	v6 =	vld.idx.msk [tilespmem:v6+s14+$0x0], $0xffff;
	[tilespmem:s28+$0x280] =	vst v7  }
0x5d: {  	v10 =	vadd.s32 $0x7D0, v5;
	v7 =	vld.idx.msk [tilespmem:v11+s14+$0x0], $0xffff;
	[tilespmem:s29+$0x80] =	vst v2  }
0x5e: {  	v11 =	vadd.s32 $0x1B58, v3;
	v2 =	vld.idx.msk [tilespmem:v8+s14+$0x0], $0xffff  }
0x5f: {  	[tilespmem:s7+$0x300] =	vst v1;
	v8 =	vadd.s32 $0xBB8, v0  }
0x60: {  	v1 =	vld.idx.msk [tilespmem:v9+s14+$0x0], $0xffff  }
0x61: {  	[tilespmem:s30+$0x80] =	vst v6;
	v6 =	vadd.s32 $0x1F40, v4  }
0x62: {  	[tilespmem:s28+$0x300] =	vst v7;
	v9 =	vld.idx.msk [tilespmem:v10+s14+$0x0], $0xffff  }
0x63: {  	v10 =	vadd.s32 $0xBB8, v5;
	v11 =	vld.idx.msk [tilespmem:v11+s14+$0x0], $0xffff;
	[tilespmem:s29+$0x100] =	vst v2  }
0x64: {  	s25 =	simm.s32 $0x50;
	v2 =	vld.idx.msk [tilespmem:v8+s14+$0x0], $0xffff  }
0x65: {  	v12 =	vadd.s32 $0xFA0, v0;
	[tilespmem:s7+$0x380] =	vst v1;
	v1 =	vld [tilespmem:s25+$0x0]  }
0x66: {  	v13 =	vadd.s32 $0x1F40, v3;
	v6 =	vld.idx.msk [tilespmem:v6+s14+$0x0], $0xffff  }
0x67: {  	[tilespmem:s30+$0x100] =	vst v9;
	v9 =	vadd.s32 $0x2328, v4;
	v8 =	vld [tilespmem:s25+$0xFFFFFFF0]  }
0x68: {  	v10 =	vld.idx.msk [tilespmem:v10+s14+$0x0], $0xffff  }
0x69: {  	v7 =	vadd.s32 $0xFA0, v5;
	[tilespmem:s29+$0x180] =	vst v2  }
0x6a: {  	[tilespmem:s28+$0x380] =	vst v11;
	v2 =	vld.idx.msk [tilespmem:v12+s14+$0x0], $0xffff  }
0x6b: {  	[tilespmem:s7+$0x5C00] =	vst v6;
	v12 =	vld.idx.msk [tilespmem:v13+s14+$0x0], $0xffff  }
0x6c: {  	v6 =	vld.idx.msk [tilespmem:v9+s14+$0x0], $0xffff;
	v9 =	vadd.s32 $0x1388, v0  }
0x6d: {  	[tilespmem:s30+$0x180] =	vst v10;
	v13 =	vadd.s32 $0x2328, v3  }
0x6e: {  	v10 =	vadd.s32 $0x2710, v4;
	v7 =	vld.idx.msk [tilespmem:v7+s14+$0x0], $0xffff  }
0x6f: {  	s1 =	simm.s32 $0x200;
	v11 =	vadd.s32 $0x1388, v5;
	v15 =	vld.idx.msk [tilespmem:v8+s14+$0x0], $0xffff;
	[tilespmem:s29+$0x200] =	vst v2  }
0x70: {  	s6 =	simm.s32 $0x50;
	s0 =	sand.u32 $0x7C00, s1;
	v16 =	vadd.s32 $0x3E8, v8;
	v14 =	vld.idx.msk [tilespmem:v1+s14+$0x0], $0xffff;
	[tilespmem:s28+$0x5C00] =	vst v12  }
0x71: {  	s8 =	simm.s32 $0x40;
	s1 =	sand.u32 $0x70, s6;
	s0 =	sadd.s32 $0x1700, s0;
	v2 =	vld.idx.msk [tilespmem:v9+s14+$0x0], $0xffff;
	[tilespmem:s7+$0x5C80] =	vst v6;
	v6 =	vadd.s32 $0x3E8, v1  }
0x72: {  	s31 =	sor.u32 s1, s0;
	s1 =	sand.u32 $0x60, s8;
	v13 =	vld.idx.msk [tilespmem:v13+s14+$0x0], $0xffff  }
0x73: {  	s1 =	sor.u32 s1, s0;
	[tilespmem:s30+$0x200] =	vst v7;
	v9 =	vld.idx.msk [tilespmem:v10+s14+$0x0], $0xffff;
	v10 =	vadd.s32 $0x1770, v0  }
0x74: {  	v7 =	vadd.s32 $0x2AF8, v4;
	v11 =	vld.idx.msk [tilespmem:v11+s14+$0x0], $0xffff;
	[tilespmem:s1+$0x0] =	vst v15  }
0x75: {  	v12 =	vadd.s32 $0x1770, v5;
	[tilespmem:s31+$0x0] =	vst v14;
	v15 =	vld.idx.msk [tilespmem:v16+s14+$0x0], $0xffff  }
0x76: {  	s13 =	simm.s32 $0x70;
	v14 =	vadd.s32 $0x2710, v3;
	v6 =	vld.idx.msk [tilespmem:v6+s14+$0x0], $0xffff;
	[tilespmem:s29+$0x280] =	vst v2  }
0x77: {  	v27 =	vld [tilespmem:s13+$0xFFFFFFF0];
	v16 =	vadd.s32 $0x7D0, v8;
	[tilespmem:s28+$0x5C80] =	vst v13  }
0x78: {  	v2 =	vld.idx.msk [tilespmem:v10+s14+$0x0], $0xffff;
	[tilespmem:s7+$0x5D00] =	vst v9;
	v9 =	vadd.s32 $0x7D0, v1  }
0x79: {  	v10 =	vadd.s32 $0x1B58, v0;
	[tilespmem:s30+$0x280] =	vst v11;
	v7 =	vld.idx.msk [tilespmem:v7+s14+$0x0], $0xffff  }
0x7a: {  	v11 =	vadd.s32 $0x2EE0, v4;
	v12 =	vld.idx.msk [tilespmem:v12+s14+$0x0], $0xffff;
	[tilespmem:s1+$0x80] =	vst v15  }
0x7b: {  	v13 =	vadd.s32 $0x1B58, v5;
	[tilespmem:s31+$0x80] =	vst v6;
	v6 =	vld.idx.msk [tilespmem:v14+s14+$0x0], $0xffff  }
0x7c: {  	v15 =	vld.idx.msk [tilespmem:v16+s14+$0x0], $0xffff;
	v14 =	vadd.s32 $0x2AF8, v3  }
0x7d: {  	v16 =	vadd.s32 $0xBB8, v8;
	v9 =	vld.idx.msk [tilespmem:v9+s14+$0x0], $0xffff;
	[tilespmem:s29+$0x300] =	vst v2  }
0x7e: {  	v2 =	vld.idx.msk [tilespmem:v10+s14+$0x0], $0xffff;
	[tilespmem:s7+$0x5D80] =	vst v7;
	v7 =	vadd.s32 $0xBB8, v1  }
0x7f: {  	[tilespmem:s30+$0x300] =	vst v12;
	v10 =	vld.idx.msk [tilespmem:v11+s14+$0x0], $0xffff  }
0x80: {  	v11 =	vadd.s32 $0x1F40, v0;
	v13 =	vld.idx.msk [tilespmem:v13+s14+$0x0], $0xffff;
	[tilespmem:s28+$0x5D00] =	vst v6  }
0x81: {  	v12 =	vadd.s32 $0x32C8, v4;
	[tilespmem:s1+$0x100] =	vst v15;
	v6 =	vld.idx.msk [tilespmem:v14+s14+$0x0], $0xffff  }
0x82: {  	[tilespmem:s31+$0x100] =	vst v9;
	v14 =	vld.idx.msk [tilespmem:v16+s14+$0x0], $0xffff  }
0x83: {  	v16 =	vadd.s32 $0x1F40, v5;
	v7 =	vld.idx.msk [tilespmem:v7+s14+$0x0], $0xffff  }
0x84: {  	v17 =	vadd.s32 $0xFA0, v8;
	[tilespmem:s29+$0x380] =	vst v2;
	v2 =	vld [tilespmem:s13+$0x0]  }
0x85: {  	v9 =	vld.idx.msk [tilespmem:v11+s14+$0x0], $0xffff;
	[tilespmem:s7+$0x5E00] =	vst v10;
	v10 =	vadd.s32 $0xFA0, v1  }
0x86: {  	[tilespmem:s30+$0x380] =	vst v13;
	v11 =	vld.idx.msk [tilespmem:v12+s14+$0x0], $0xffff;
	v12 =	vadd.s32 $0x2328, v0  }
0x87: {  	v15 =	vadd.s32 $0x36B0, v4;
	[tilespmem:s1+$0x180] =	vst v14  }
0x88: {  	v13 =	vld.idx.msk [tilespmem:v16+s14+$0x0], $0xffff;
	[tilespmem:s28+$0x5D80] =	vst v6  }
0x89: {  	[tilespmem:s31+$0x180] =	vst v7;
	v6 =	vld.idx.msk [tilespmem:v17+s14+$0x0], $0xffff  }
0x8a: {  	v7 =	vadd.s32 $0x2EE0, v3;
	v10 =	vld.idx.msk [tilespmem:v10+s14+$0x0], $0xffff;
	[tilespmem:s29+$0x5C00] =	vst v9  }
0x8b: {  	v9 =	vld.idx.msk [tilespmem:v12+s14+$0x0], $0xffff;
	[tilespmem:s7+$0x5E80] =	vst v11;
	v11 =	vadd.s32 $0x1388, v1  }
0x8c: {  	v14 =	vadd.s32 $0x2710, v0;
	v12 =	vld.idx.msk [tilespmem:v15+s14+$0x0], $0xffff  }
0x8d: {  	v15 =	vadd.s32 $0x1388, v8;
	v16 =	vld.idx.msk [tilespmem:v2+s14+$0x0], $0xffff  }
0x8e: {  	v4 =	vadd.s32 $0x3A98, v4;
	[tilespmem:s30+$0x5C00] =	vst v13;
	v13 =	vld.idx.msk [tilespmem:v27+s14+$0x0], $0xffff  }
0x8f: {  	s8 =	simm.s32 $0x300;
	v7 =	vld.idx.msk [tilespmem:v7+s14+$0x0], $0xffff;
	[tilespmem:s31+$0x200] =	vst v10;
	v10 =	vadd.s32 $0x2328, v5  }
0x90: {  	s16 =	simm.s32 $0x70;
	s15 =	sand.u32 $0x7C00, s8;
	v17 =	vadd.s32 $0x32C8, v3;
	v11 =	vld.idx.msk [tilespmem:v11+s14+$0x0], $0xffff;
	[tilespmem:s29+$0x5C80] =	vst v9  }
0x91: {  	s23 =	sand.u32 $0x70, s16;
	s15 =	sadd.s32 $0x1700, s15;
	[tilespmem:s1+$0x200] =	vst v6;
	v9 =	vadd.s32 $0x3E8, v2;
	v14 =	vld.idx.msk [tilespmem:v14+s14+$0x0], $0xffff  }
0x92: {  	s0 =	sor.u32 s23, s15;
	s13 =	simm.s32 $0x60;
	[tilespmem:s7+$0x5F00] =	vst v12;
	v12 =	vadd.s32 $0x1770, v1;
	v15 =	vld.idx.msk [tilespmem:v15+s14+$0x0], $0xffff  }
0x93: {  	s25 =	sand.u32 $0x60, s13;
	v6 =	vadd.s32 $0x2AF8, v0;
	[tilespmem:s0+$0x0] =	vst v16;
	v4 =	vld.idx.msk [tilespmem:v4+s14+$0x0], $0xffff  }
0x94: {  	s6 =	sor.u32 s25, s15;
	v16 =	vadd.s32 $0x1770, v8;
	[tilespmem:s28+$0x5E00] =	vst v7;
	v10 =	vld.idx.msk [tilespmem:v10+s14+$0x0], $0xffff  }
0x95: {  	[tilespmem:s6+$0x0] =	vst v13;
	v7 =	vadd.s32 $0x3E8, v27;
	v13 =	vld.idx.msk [tilespmem:v17+s14+$0x0], $0xffff  }
0x96: {  	v9 =	vld.idx.msk [tilespmem:v9+s14+$0x0], $0xffff;
	[tilespmem:s31+$0x280] =	vst v11;
	v11 =	vadd.s32 $0x2710, v5  }
0x97: {  	v17 =	vadd.s32 $0x36B0, v3;
	v12 =	vld.idx.msk [tilespmem:v12+s14+$0x0], $0xffff;
	[tilespmem:s29+$0x5D00] =	vst v14  }
0x98: {  	v14 =	vadd.s32 $0x7D0, v2;
	[tilespmem:s1+$0x280] =	vst v15;
	v6 =	vld.idx.msk [tilespmem:v6+s14+$0x0], $0xffff  }
0x99: {  	[tilespmem:s7+$0x5F80] =	vst v4;
	v4 =	vadd.s32 $0x1B58, v1;
	v16 =	vld.idx.msk [tilespmem:v16+s14+$0x0], $0xffff  }
0x9a: {  	v15 =	vadd.s32 $0x2EE0, v0;
	v7 =	vld.idx.msk [tilespmem:v7+s14+$0x0], $0xffff;
	[tilespmem:s30+$0x5C80] =	vst v10  }
0x9b: {  	v18 =	vadd.s32 $0x1B58, v8;
	[tilespmem:s28+$0x5E80] =	vst v13;
	v11 =	vld.idx.msk [tilespmem:v11+s14+$0x0], $0xffff  }
0x9c: {  	v10 =	vadd.s32 $0x7D0, v27;
	[tilespmem:s0+$0x80] =	vst v9;
	v32 =	vld.idx.msk [tilespmem:v17+s14+$0x0], $0xffff  }
0x9d: {  	v29 =	vadd.s32 $0x3A98, v3;
	v35 =	vadd.s32 $0x32C8, v0;
	v20 =	vld.idx.msk [tilespmem:v14+s14+$0x0], $0xffff;
	[tilespmem:s31+$0x300] =	vst v12;
	v12 =	vadd.s32 $0x2AF8, v5  }
0x9e: {  	v37 =	vadd.s32 $0xBB8, v27;
	v26 =	vadd.s32 $0xFA0, v27;
	v22 =	vadd.s32 $0xBB8, v2;
	v21 =	vld.idx.msk [tilespmem:v4+s14+$0x0], $0xffff;
	[tilespmem:s29+$0x5D80] =	vst v6  }
0x9f: {  	v24 =	vadd.s32 $0x1388, v27;
	v23 =	vadd.s32 $0x1770, v27;
	v31 =	vadd.s32 $0x1F40, v1;
	[tilespmem:s1+$0x300] =	vst v16;
	v30 =	vld.idx.msk [tilespmem:v15+s14+$0x0], $0xffff  }
0xa0: {  	v25 =	vadd.s32 $0x1F40, v27;
	v19 =	vadd.s32 $0x1F40, v8;
	v3 =	vadd.s32 $0x3A98, v5;
	[tilespmem:s6+$0x80] =	vst v7;
	v36 =	vld.idx.msk [tilespmem:v18+s14+$0x0], $0xffff  }
0xa1: {  	v13 =	vadd.s32 $0x2EE0, v8;
	v9 =	vadd.s32 $0x2EE0, v5;
	v17 =	vadd.s32 $0x2328, v8;
	v34 =	vld.idx.msk [tilespmem:v10+s14+$0x0], $0xffff;
	[tilespmem:s30+$0x5D00] =	vst v11  }
0xa2: {  	v14 =	vadd.s32 $0x2AF8, v8;
	v6 =	vadd.s32 $0x32C8, v5;
	v4 =	vadd.s32 $0x36B0, v5;
	[tilespmem:s0+$0x100] =	vst v20;
	v28 =	vld.idx.msk [tilespmem:v12+s14+$0x0], $0xffff  }
0xa3: {  	v5 =	vadd.s32 $0x3A98, v8;
	v16 =	vadd.s32 $0x2EE0, v27;
	v15 =	vadd.s32 $0x2710, v8;
	v33 =	vld.idx.msk [tilespmem:v22+s14+$0x0], $0xffff;
	[tilespmem:s31+$0x380] =	vst v21  }
0xa4: {  	v7 =	vadd.s32 $0x36B0, v8;
	v18 =	vadd.s32 $0x2AF8, v27;
	v10 =	vadd.s32 $0x32C8, v8;
	v31 =	vld.idx.msk [tilespmem:v31+s14+$0x0], $0xffff;
	[tilespmem:s29+$0x5E00] =	vst v30  }
0xa5: {  	v8 =	vadd.s32 $0x3A98, v27;
	[tilespmem:s28+$0x5F00] =	vst v32;
	v11 =	vadd.s32 $0x36B0, v27;
	v30 =	vld.idx.msk [tilespmem:v35+s14+$0x0], $0xffff;
	v35 =	vadd.s32 $0xFA0, v2  }
0xa6: {  	v32 =	vadd.s32 $0x2328, v1;
	v20 =	vadd.s32 $0x2710, v27;
	v12 =	vadd.s32 $0x32C8, v27;
	v29 =	vld.idx.msk [tilespmem:v29+s14+$0x0], $0xffff;
	[tilespmem:s6+$0x100] =	vst v34  }
0xa7: {  	s7 =	simm.s32 $0x90;
	v22 =	vadd.s32 $0x1B58, v27;
	v21 =	vadd.s32 $0x2328, v27;
	v27 =	vadd.s32 $0x36B0, v0;
	[tilespmem:s1+$0x380] =	vst v36;
	v34 =	vld.idx.msk [tilespmem:v37+s14+$0x0], $0xffff  }
.LBB2_3:
0xa8: {  	v36 =	vld [tilespmem:s7+$0x0];
	[tilespmem:s30+$0x5D80] =	vst v28  }
0xa9: {  	v28 =	vld [tilespmem:s7+$0xFFFFFFF0];
	[tilespmem:s0+$0x180] =	vst v33  }
0xaa: {  	v33 =	vld.idx.msk [tilespmem:v35+s14+$0x0], $0xffff;
	[tilespmem:s31+$0x5C00] =	vst v31  }
0xab: {  	v31 =	vld.idx.msk [tilespmem:v32+s14+$0x0], $0xffff;
	[tilespmem:s29+$0x5E80] =	vst v30  }
0xac: {  	v30 =	vadd.s32 $0x1388, v2;
	v32 =	vld.idx.msk [tilespmem:v27+s14+$0x0], $0xffff;
	[tilespmem:s28+$0x5F80] =	vst v29;
	s28 =	smov.u32 s30;
	s30 =	smov.u32 s1;
	s1 =	smov.u32 s6  }
0xad: {  	[tilespmem:s1+$0x180] =	vst v34;
	v29 =	vld.idx.msk [tilespmem:v19+s14+$0x0], $0xffff;
	v34 =	vadd.s32 $0x2710, v1;
	v19 =	vmov v25  }
0xae: {  	v39 =	vadd.s32 $0x3A98, v0;
	v0 =	vmovc v1;
	v1 =	vmovc v2;
	v35 =	vadd.s32 $0x3E8, v28;
	v37 =	vadd.s32 $0x7D0, v28;
	v38 =	vld.idx.msk [tilespmem:v26+s14+$0x0], $0xffff  }
0xaf: {  	v2 =	vmovc v36;
	v27 =	vadd.s32 $0xBB8, v28;
	v26 =	vadd.s32 $0xFA0, v28;
	v40 =	vadd.s32 $0x1388, v28;
	v41 =	vld.idx.msk [tilespmem:v9+s14+$0x0], $0xffff;
	v9 =	vmovc v13  }
0xb0: {  	v42 =	vadd.s32 $0x1770, v28;
	v43 =	vadd.s32 $0x1B58, v28;
	v25 =	vadd.s32 $0x1F40, v28;
	v13 =	vmovc v16;
	v36 =	vld.idx.msk [tilespmem:v36+s14+$0x0], $0xffff;
	[tilespmem:s0+$0x200] =	vst v33  }
0xb1: {  	v44 =	vadd.s32 $0x2710, v28;
	v45 =	vadd.s32 $0x2AF8, v28;
	v33 =	vadd.s32 $0x2328, v28;
	v30 =	vld.idx.msk [tilespmem:v30+s14+$0x0], $0xffff;
	[tilespmem:s31+$0x5C80] =	vst v31  }
0xb2: {  	s8 =	sadd.s32 $0x100, s8;
	v46 =	vadd.s32 $0x3E8, v2;
	v16 =	vadd.s32 $0x2EE0, v28;
	v31 =	vadd.s32 $0x32C8, v28;
	v34 =	vld.idx.msk [tilespmem:v34+s14+$0x0], $0xffff;
	[tilespmem:s29+$0x5F00] =	vst v32  }
0xb3: {  	s15 =	sadd.s32 $0x30, s13;
	s13 =	sadd.s32 $0x20, s13;
	s6 =	sand.u32 $0x7C00, s8;
	v47 =	vadd.s32 $0x3A98, v28;
	v48 =	vadd.s32 $0x1770, v1;
	v32 =	vadd.s32 $0x36B0, v28;
	[tilespmem:s30+$0x5C00] =	vst v29;
	v29 =	vld.idx.msk [tilespmem:v39+s14+$0x0], $0xffff  }
0xb4: {  	s23 =	sand.u32 $0x60, s13;
	s15 =	sand.u32 $0x70, s15;
	s25 =	sadd.s32 $0x1700, s6;
	v28 =	vld.idx.msk [tilespmem:v28+s14+$0x0], $0xffff;
	[tilespmem:s1+$0x200] =	vst v38;
	v38 =	vadd.s32 $0x2AF8, v0  }
0xb5: {  	p0 =	slt.u32 s13, $0xB60;
	s6 =	sor.u32 s23, s25;
	s15 =	sor.u32 s15, s25;
	v39 =	vld.idx.msk [tilespmem:v24+s14+$0x0], $0xffff;
	[tilespmem:s28+$0x5E00] =	vst v41;
	v24 =	vmov v40  }
0xb6: {  	[tilespmem:s15+$0x0] =	vst v36;
	v36 =	vld.idx.msk [tilespmem:v17+s14+$0x0], $0xffff;
	v17 =	vmov v21;
	v21 =	vmov v33  }
0xb7: {  	v33 =	vld.idx.msk [tilespmem:v46+s14+$0x0], $0xffff;
	[tilespmem:s0+$0x280] =	vst v30  }
0xb8: {  	v30 =	vld.idx.msk [tilespmem:v48+s14+$0x0], $0xffff;
	[tilespmem:s31+$0x5D00] =	vst v34  }
0xb9: {  	v34 =	vadd.s32 $0x7D0, v2;
	v38 =	vld.idx.msk [tilespmem:v38+s14+$0x0], $0xffff;
	[tilespmem:s29+$0x5F80] =	vst v29;
	s29 =	smov.u32 s31;
	s31 =	smov.u32 s0;
	s0 =	smov.u32 s15  }
0xba: {  	[tilespmem:s6+$0x0] =	vst v28;
	v28 =	vadd.s32 $0x1B58, v1;
	v29 =	vld.idx.msk [tilespmem:v6+s14+$0x0], $0xffff;
	v6 =	vmovc v10;
	v10 =	vmov v12;
	v12 =	vmov v31  }
0xbb: {  	v31 =	vld.idx.msk [tilespmem:v35+s14+$0x0], $0xffff;
	[tilespmem:s1+$0x280] =	vst v39;
	v35 =	vadd.s32 $0x2EE0, v0  }
0xbc: {  	v39 =	vld.idx.msk [tilespmem:v23+s14+$0x0], $0xffff;
	[tilespmem:s30+$0x5C80] =	vst v36;
	v23 =	vmov v42  }
0xbd: {  	[tilespmem:s0+$0x80] =	vst v33;
	v33 =	vld.idx.msk [tilespmem:v15+s14+$0x0], $0xffff;
	v15 =	vmov v20;
	v20 =	vmov v44  }
0xbe: {  	v34 =	vld.idx.msk [tilespmem:v34+s14+$0x0], $0xffff;
	[tilespmem:s31+$0x300] =	vst v30  }
0xbf: {  	v30 =	vld.idx.msk [tilespmem:v28+s14+$0x0], $0xffff;
	[tilespmem:s29+$0x5D80] =	vst v38  }
0xc0: {  	v36 =	vadd.s32 $0xBB8, v2;
	v35 =	vld.idx.msk [tilespmem:v35+s14+$0x0], $0xffff;
	[tilespmem:s28+$0x5E80] =	vst v29  }
0xc1: {  	v29 =	vadd.s32 $0x1F40, v1;
	[tilespmem:s6+$0x80] =	vst v31;
	v38 =	vld.idx.msk [tilespmem:v4+s14+$0x0], $0xffff;
	v4 =	vmovc v7;
	v7 =	vmov v11;
	v11 =	vmov v32  }
0xc2: {  	v32 =	vld.idx.msk [tilespmem:v37+s14+$0x0], $0xffff;
	[tilespmem:s1+$0x300] =	vst v39;
	v37 =	vadd.s32 $0x32C8, v0  }
0xc3: {  	v39 =	vld.idx.msk [tilespmem:v22+s14+$0x0], $0xffff;
	[tilespmem:s30+$0x5D00] =	vst v33;
	v22 =	vmov v43  }
0xc4: {  	[tilespmem:s0+$0x100] =	vst v34;
	v28 =	vld.idx.msk [tilespmem:v14+s14+$0x0], $0xffff;
	v14 =	vmov v18;
	v18 =	vmov v45  }
.Ltmp2:
0xc5: {  	v33 =	vld.idx.msk [tilespmem:v36+s14+$0x0], $0xffff;
	[tilespmem:s31+$0x380] =	vst v30;
	(pc) =	sbr.rel @p0 .LBB2_3-.Ltmp2, $4  }
0xc6: {  	v31 =	vld.idx.msk [tilespmem:v29+s14+$0x0], $0xffff;
	[tilespmem:s29+$0x5E00] =	vst v35  }
0xc7: {  	v35 =	vadd.s32 $0xFA0, v2;
	v30 =	vld.idx.msk [tilespmem:v37+s14+$0x0], $0xffff;
	[tilespmem:s28+$0x5F00] =	vst v38  }
0xc8: {  	[tilespmem:s6+$0x100] =	vst v32;
	v32 =	vadd.s32 $0x2328, v1;
	v29 =	vld.idx.msk [tilespmem:v3+s14+$0x0], $0xffff;
	v3 =	vmovc v5;
	v5 =	vmov v8;
	v8 =	vmov v47  }
0xc9: {  	s7 =	sadd.s32 $0x20, s7;
	v34 =	vld.idx.msk [tilespmem:v27+s14+$0x0], $0xffff;
	[tilespmem:s1+$0x380] =	vst v39;
	v27 =	vadd.s32 $0x36B0, v0  }
0xca: {  	_ =	sdelay $0x2  }
0xcb: {  	[tilespmem:s0+$0x180] =	vst v33  }
0xcc: {  	v33 =	vld.idx.msk [tilespmem:v35+s14+$0x0], $0xffff;
	[tilespmem:s6+$0x180] =	vst v34  }
0xcd: {  	v60 =	vadd.s32 $0x1388, v2;
	v26 =	vld.idx.msk [tilespmem:v26+s14+$0x0], $0xffff;
	_ =	sdelay $0x3  }
0xce: {  	[tilespmem:s0+$0x200] =	vst v33  }
0xcf: {  	v33 =	vld.idx.msk [tilespmem:v60+s14+$0x0], $0xffff;
	[tilespmem:s6+$0x200] =	vst v26  }
0xd0: {  	v26 =	vadd.s32 $0x1770, v2;
	v24 =	vld.idx.msk [tilespmem:v24+s14+$0x0], $0xffff;
	_ =	sdelay $0x3  }
0xd1: {  	[tilespmem:s0+$0x280] =	vst v33  }
0xd2: {  	v26 =	vld.idx.msk [tilespmem:v26+s14+$0x0], $0xffff;
	[tilespmem:s6+$0x280] =	vst v24  }
0xd3: {  	v24 =	vadd.s32 $0x1B58, v2;
	v23 =	vld.idx.msk [tilespmem:v23+s14+$0x0], $0xffff;
	_ =	sdelay $0x3  }
0xd4: {  	[tilespmem:s0+$0x300] =	vst v26  }
0xd5: {  	v24 =	vld.idx.msk [tilespmem:v24+s14+$0x0], $0xffff;
	[tilespmem:s6+$0x300] =	vst v23  }
0xd6: {  	v23 =	vadd.s32 $0x1F40, v2;
	v22 =	vld.idx.msk [tilespmem:v22+s14+$0x0], $0xffff;
	_ =	sdelay $0x2  }
0xd7: {  	v19 =	vld.idx.msk [tilespmem:v19+s14+$0x0], $0xffff  }
0xd8: {  	[tilespmem:s0+$0x380] =	vst v24  }
0xd9: {  	v23 =	vld.idx.msk [tilespmem:v23+s14+$0x0], $0xffff;
	[tilespmem:s6+$0x380] =	vst v22  }
0xda: {  	v22 =	vadd.s32 $0x2328, v2;
	v24 =	vld.idx.msk [tilespmem:v25+s14+$0x0], $0xffff;
	_ =	sdelay $0x1  }
0xdb: {  	[tilespmem:s1+$0x5C00] =	vst v19  }
0xdc: {  	[tilespmem:s31+$0x5C00] =	vst v31;
	v17 =	vld.idx.msk [tilespmem:v17+s14+$0x0], $0xffff  }
0xdd: {  	v25 =	vld.idx.msk [tilespmem:v32+s14+$0x0], $0xffff;
	[tilespmem:s0+$0x5C00] =	vst v23  }
0xde: {  	v19 =	vadd.s32 $0x2710, v1;
	v22 =	vld.idx.msk [tilespmem:v22+s14+$0x0], $0xffff;
	[tilespmem:s6+$0x5C00] =	vst v24  }
0xdf: {  	v23 =	vadd.s32 $0x2710, v2;
	v21 =	vld.idx.msk [tilespmem:v21+s14+$0x0], $0xffff;
	_ =	sdelay $0x1  }
0xe0: {  	[tilespmem:s1+$0x5C80] =	vst v17  }
0xe1: {  	v15 =	vld.idx.msk [tilespmem:v15+s14+$0x0], $0xffff;
	[tilespmem:s31+$0x5C80] =	vst v25  }
0xe2: {  	v19 =	vld.idx.msk [tilespmem:v19+s14+$0x0], $0xffff;
	[tilespmem:s0+$0x5C80] =	vst v22  }
0xe3: {  	v17 =	vadd.s32 $0x2AF8, v1;
	v22 =	vld.idx.msk [tilespmem:v23+s14+$0x0], $0xffff;
	[tilespmem:s6+$0x5C80] =	vst v21  }
0xe4: {  	v21 =	vadd.s32 $0x2AF8, v2;
	v20 =	vld.idx.msk [tilespmem:v20+s14+$0x0], $0xffff;
	_ =	sdelay $0x1  }
0xe5: {  	[tilespmem:s1+$0x5D00] =	vst v15  }
0xe6: {  	v14 =	vld.idx.msk [tilespmem:v14+s14+$0x0], $0xffff;
	[tilespmem:s31+$0x5D00] =	vst v19  }
0xe7: {  	v17 =	vld.idx.msk [tilespmem:v17+s14+$0x0], $0xffff;
	[tilespmem:s0+$0x5D00] =	vst v22  }
0xe8: {  	v15 =	vadd.s32 $0x2EE0, v1;
	v19 =	vld.idx.msk [tilespmem:v21+s14+$0x0], $0xffff;
	[tilespmem:s6+$0x5D00] =	vst v20  }
0xe9: {  	v20 =	vadd.s32 $0x2EE0, v2;
	v18 =	vld.idx.msk [tilespmem:v18+s14+$0x0], $0xffff  }
0xea: {  	[tilespmem:s30+$0x5D80] =	vst v28  }
0xeb: {  	v9 =	vld.idx.msk [tilespmem:v9+s14+$0x0], $0xffff;
	[tilespmem:s1+$0x5D80] =	vst v14  }
0xec: {  	v13 =	vld.idx.msk [tilespmem:v13+s14+$0x0], $0xffff;
	[tilespmem:s31+$0x5D80] =	vst v17  }
0xed: {  	v15 =	vld.idx.msk [tilespmem:v15+s14+$0x0], $0xffff;
	[tilespmem:s0+$0x5D80] =	vst v19  }
0xee: {  	v14 =	vadd.s32 $0x32C8, v1;
	v17 =	vld.idx.msk [tilespmem:v20+s14+$0x0], $0xffff;
	[tilespmem:s6+$0x5D80] =	vst v18  }
0xef: {  	[tilespmem:s29+$0x5E80] =	vst v30;
	v18 =	vadd.s32 $0x32C8, v2;
	v16 =	vld.idx.msk [tilespmem:v16+s14+$0x0], $0xffff  }
0xf0: {  	[tilespmem:s30+$0x5E00] =	vst v9  }
0xf1: {  	v6 =	vld.idx.msk [tilespmem:v6+s14+$0x0], $0xffff;
	[tilespmem:s1+$0x5E00] =	vst v13  }
0xf2: {  	v10 =	vld.idx.msk [tilespmem:v10+s14+$0x0], $0xffff;
	[tilespmem:s31+$0x5E00] =	vst v15  }
0xf3: {  	v9 =	vld.idx.msk [tilespmem:v14+s14+$0x0], $0xffff;
	[tilespmem:s0+$0x5E00] =	vst v17  }
0xf4: {  	v13 =	vadd.s32 $0x36B0, v1;
	v14 =	vld.idx.msk [tilespmem:v18+s14+$0x0], $0xffff;
	[tilespmem:s6+$0x5E00] =	vst v16  }
0xf5: {  	[tilespmem:s28+$0x5F80] =	vst v29;
	v15 =	vadd.s32 $0x36B0, v2;
	v12 =	vld.idx.msk [tilespmem:v12+s14+$0x0], $0xffff  }
0xf6: {  	[tilespmem:s30+$0x5E80] =	vst v6;
	v16 =	vld.idx.msk [tilespmem:v27+s14+$0x0], $0xffff  }
0xf7: {  	v0 =	vadd.s32 $0x3A98, v0;
	v4 =	vld.idx.msk [tilespmem:v4+s14+$0x0], $0xffff;
	[tilespmem:s1+$0x5E80] =	vst v10  }
0xf8: {  	v7 =	vld.idx.msk [tilespmem:v7+s14+$0x0], $0xffff;
	[tilespmem:s31+$0x5E80] =	vst v9  }
0xf9: {  	v6 =	vld.idx.msk [tilespmem:v13+s14+$0x0], $0xffff;
	[tilespmem:s0+$0x5E80] =	vst v14  }
0xfa: {  	v1 =	vadd.s32 $0x3A98, v1;
	v9 =	vld.idx.msk [tilespmem:v15+s14+$0x0], $0xffff;
	[tilespmem:s6+$0x5E80] =	vst v12  }
0xfb: {  	v2 =	vadd.s32 $0x3A98, v2;
	[tilespmem:s29+$0x5F00] =	vst v16;
	v10 =	vld.idx.msk [tilespmem:v11+s14+$0x0], $0xffff  }
0xfc: {  	[tilespmem:s30+$0x5F00] =	vst v4;
	v0 =	vld.idx.msk [tilespmem:v0+s14+$0x0], $0xffff  }
0xfd: {  	v3 =	vld.idx.msk [tilespmem:v3+s14+$0x0], $0xffff;
	[tilespmem:s1+$0x5F00] =	vst v7  }
0xfe: {  	v4 =	vld.idx.msk [tilespmem:v5+s14+$0x0], $0xffff;
	[tilespmem:s31+$0x5F00] =	vst v6  }
0xff: {  	v1 =	vld.idx.msk [tilespmem:v1+s14+$0x0], $0xffff;
	[tilespmem:s0+$0x5F00] =	vst v9  }
0x100: {  	v2 =	vld.idx.msk [tilespmem:v2+s14+$0x0], $0xffff;
	[tilespmem:s6+$0x5F00] =	vst v10  }
0x101: {  	[tilespmem:s29+$0x5F80] =	vst v0;
	v0 =	vld.idx.msk [tilespmem:v8+s14+$0x0], $0xffff  }
0x102: {  	s28 =	smul.u32 $0x2E, s26;
	[tilespmem:s30+$0x5F80] =	vst v3  }
0x103: {  	[tilespmem:s1+$0x5F80] =	vst v4  }
0x104: {  	s16 =	sadd.s32 s5, s28;
	[tilespmem:s31+$0x5F80] =	vst v1  }
0x105: {  	s23 =	sshll.u32 s16, $0x7;
	[tilespmem:s0+$0x5F80] =	vst v2  }
0x106: {  	s1 =	sadd.s32 s3, s23;
	[tilespmem:s6+$0x5F80] =	vst v0  }
0x107: {  	[hbm4b:s1+s4] =	stream.linear.scatter [tilespmem:s18], [sflag:$0x3], $0x5C00, $0x38;
	[tilespmem:$0x1C580] =	vst v63  }
0x108: {  	p0 =	seq.s32 s26, $0x10;
	s0 =	sadd.s32 s23, s9  }
0x109: {  	[hbm4b:s0+s4] =	stream.linear.scatter [tilespmem:s19], [sflag:$0x3], $0x5C00, $0x38;
	[tilespmem:$0x1C580] =	vst v63  }
0x10a: {  	s0 =	sadd.s32 @!p0 s28, s10  }
0x10b: {  	p1 =	seq.s32 @!p0 s26, $0x0;
	s0 =	sshll.u32 @!p0 s0, $0x4  }
0x10c: {  	p1 =	por p0, !p1;
	s1 =	simm.s32 @!p0 $0x0;
	s0 =	sadd.s32 @!p0 s2, s0  }
0x10d: {  	[tilespmem:s1], [sflag:$0x1] =	stream.linear.gather @!p0 [hbm4b:s0+s1], $0xB80, $0x38;
	[tilespmem:$0x1C580] =	vst v63  }
0x10e: {  	_ =	swait.ge @p1 [sflag:s24], $0x5C00  }
0x10f: {  	[sflag:s24] =	ssyncset.done @p1 $0x0  }
0x110: {  	[sflag:s24] =	ssyncadd.s32 @p1 $0xFFFFA400  }
0x111: {  	_ =	swait.ge @p1 [sflag:s24], $0x5C00  }
0x112: {  	[sflag:s24] =	ssyncset.done @p1 $0x0  }
0x113: {  	[sflag:s24] =	ssyncadd.s32 @p1 $0xFFFFA400  }
0x114: {  	_ =	swait.ge [sflag:s20], $0xB80  }
0x115: {  	[sflag:s20] =	ssyncset.done $0x0  }
0x116: {  	s25 =	simm.s32 $0xB90;
	[sflag:s20] =	ssyncadd.s32 $0xFFFFF480  }
0x117: {  	v4 =	vld [tilespmem:s25+$0x0];
	_ =	sdelay $0x3  }
0x118: {  	v3 =	vld [tilespmem:s25+$0xFFFFFFF0];
	_ =	sdelay $0x3  }
0x119: {  	v0 =	vld.idx.msk [tilespmem:v4+s14+$0x0], $0xffff  }
0x11a: {  	s1 =	simm.s32 $0x0;
	v1 =	vadd.s32 $0x3E8, v4  }
0x11b: {  	s6 =	simm.s32 $0x10;
	s0 =	sand.u32 $0x7C00, s1  }
0x11c: {  	s1 =	sand.u32 $0x70, s6;
	s0 =	sadd.s32 $0xCF00, s0  }
0x11d: {  	s15 =	sor.u32 s1, s0;
	v2 =	vld.idx.msk [tilespmem:v3+s14+$0x0], $0xffff  }
0x11e: {  	v5 =	vadd.s32 $0x3E8, v3;
	[tilespmem:s15+$0x0] =	vst v0  }
0x11f: {  	s7 =	simm.s32 $0x0;
	v0 =	vld.idx.msk [tilespmem:v1+s14+$0x0], $0xffff  }
0x120: {  	s1 =	sand.u32 $0x60, s7;
	v1 =	vadd.s32 $0x7D0, v4  }
0x121: {  	s29 =	sor.u32 s1, s0  }
0x122: {  	[tilespmem:s29+$0x0] =	vst v2  }
0x123: {  	v2 =	vld.idx.msk [tilespmem:v5+s14+$0x0], $0xffff  }
0x124: {  	v5 =	vadd.s32 $0x7D0, v3;
	[tilespmem:s15+$0x80] =	vst v0  }
0x125: {  	v0 =	vld.idx.msk [tilespmem:v1+s14+$0x0], $0xffff  }
0x126: {  	v1 =	vadd.s32 $0xBB8, v4;
	_ =	sdelay $0x1  }
0x127: {  	[tilespmem:s29+$0x80] =	vst v2  }
0x128: {  	v6 =	vld.idx.msk [tilespmem:v5+s14+$0x0], $0xffff  }
0x129: {  	v7 =	vadd.s32 $0xBB8, v3;
	[tilespmem:s15+$0x100] =	vst v0  }
0x12a: {  	v1 =	vld.idx.msk [tilespmem:v1+s14+$0x0], $0xffff  }
0x12b: {  	v2 =	vadd.s32 $0xFA0, v4  }
0x12c: {  	s8 =	simm.s32 $0xBB0  }
0x12d: {  	v0 =	vld [tilespmem:s8+$0x0];
	[tilespmem:s29+$0x100] =	vst v6  }
0x12e: {  	v6 =	vld.idx.msk [tilespmem:v7+s14+$0x0], $0xffff  }
0x12f: {  	v7 =	vadd.s32 $0xFA0, v3;
	[tilespmem:s15+$0x180] =	vst v1  }
0x130: {  	v1 =	vld.idx.msk [tilespmem:v2+s14+$0x0], $0xffff  }
0x131: {  	v5 =	vld [tilespmem:s8+$0xFFFFFFF0];
	v2 =	vadd.s32 $0x1388, v4;
	_ =	sdelay $0x1  }
0x132: {  	[tilespmem:s29+$0x180] =	vst v6  }
0x133: {  	v7 =	vld.idx.msk [tilespmem:v7+s14+$0x0], $0xffff  }
0x134: {  	v11 =	vadd.s32 $0x1388, v3;
	v8 =	vld.idx.msk [tilespmem:v0+s14+$0x0], $0xffff;
	[tilespmem:s15+$0x200] =	vst v1  }
0x135: {  	s13 =	simm.s32 $0x100;
	v1 =	vld.idx.msk [tilespmem:v2+s14+$0x0], $0xffff;
	v2 =	vadd.s32 $0x3E8, v0  }
0x136: {  	s16 =	simm.s32 $0x30;
	s0 =	sand.u32 $0x7C00, s13  }
0x137: {  	s1 =	sand.u32 $0x70, s16;
	s0 =	sadd.s32 $0xCF00, s0;
	v9 =	vadd.s32 $0x1770, v4  }
0x138: {  	s30 =	sor.u32 s1, s0;
	v10 =	vld.idx.msk [tilespmem:v5+s14+$0x0], $0xffff;
	[tilespmem:s29+$0x200] =	vst v7  }
0x139: {  	v6 =	vadd.s32 $0x3E8, v5;
	[tilespmem:s30+$0x0] =	vst v8;
	v7 =	vld.idx.msk [tilespmem:v11+s14+$0x0], $0xffff  }
0x13a: {  	s23 =	simm.s32 $0x20;
	v11 =	vadd.s32 $0x1770, v3;
	v2 =	vld.idx.msk [tilespmem:v2+s14+$0x0], $0xffff  }
0x13b: {  	s25 =	sand.u32 $0x60, s23;
	v8 =	vadd.s32 $0x7D0, v0;
	[tilespmem:s15+$0x280] =	vst v1  }
0x13c: {  	s31 =	sor.u32 s25, s0;
	v1 =	vld.idx.msk [tilespmem:v9+s14+$0x0], $0xffff  }
0x13d: {  	[tilespmem:s31+$0x0] =	vst v10;
	v9 =	vadd.s32 $0x1B58, v4  }
0x13e: {  	v6 =	vld.idx.msk [tilespmem:v6+s14+$0x0], $0xffff;
	[tilespmem:s29+$0x280] =	vst v7  }
0x13f: {  	v10 =	vadd.s32 $0x7D0, v5;
	v7 =	vld.idx.msk [tilespmem:v11+s14+$0x0], $0xffff;
	[tilespmem:s30+$0x80] =	vst v2  }
0x140: {  	v11 =	vadd.s32 $0x1B58, v3;
	v2 =	vld.idx.msk [tilespmem:v8+s14+$0x0], $0xffff  }
0x141: {  	[tilespmem:s15+$0x300] =	vst v1;
	v8 =	vadd.s32 $0xBB8, v0  }
0x142: {  	v1 =	vld.idx.msk [tilespmem:v9+s14+$0x0], $0xffff  }
0x143: {  	[tilespmem:s31+$0x80] =	vst v6;
	v6 =	vadd.s32 $0x1F40, v4  }
0x144: {  	[tilespmem:s29+$0x300] =	vst v7;
	v9 =	vld.idx.msk [tilespmem:v10+s14+$0x0], $0xffff  }
0x145: {  	v10 =	vadd.s32 $0xBB8, v5;
	v11 =	vld.idx.msk [tilespmem:v11+s14+$0x0], $0xffff;
	[tilespmem:s30+$0x100] =	vst v2  }
0x146: {  	s6 =	simm.s32 $0xBD0;
	v2 =	vld.idx.msk [tilespmem:v8+s14+$0x0], $0xffff  }
0x147: {  	v12 =	vadd.s32 $0xFA0, v0;
	[tilespmem:s15+$0x380] =	vst v1;
	v1 =	vld [tilespmem:s6+$0x0]  }
0x148: {  	v13 =	vadd.s32 $0x1F40, v3;
	v6 =	vld.idx.msk [tilespmem:v6+s14+$0x0], $0xffff  }
0x149: {  	[tilespmem:s31+$0x100] =	vst v9;
	v9 =	vadd.s32 $0x2328, v4;
	v8 =	vld [tilespmem:s6+$0xFFFFFFF0]  }
0x14a: {  	v10 =	vld.idx.msk [tilespmem:v10+s14+$0x0], $0xffff  }
0x14b: {  	v7 =	vadd.s32 $0xFA0, v5;
	[tilespmem:s30+$0x180] =	vst v2  }
0x14c: {  	[tilespmem:s29+$0x380] =	vst v11;
	v2 =	vld.idx.msk [tilespmem:v12+s14+$0x0], $0xffff  }
0x14d: {  	[tilespmem:s15+$0x5C00] =	vst v6;
	v12 =	vld.idx.msk [tilespmem:v13+s14+$0x0], $0xffff  }
0x14e: {  	v6 =	vld.idx.msk [tilespmem:v9+s14+$0x0], $0xffff;
	v9 =	vadd.s32 $0x1388, v0  }
0x14f: {  	[tilespmem:s31+$0x180] =	vst v10;
	v13 =	vadd.s32 $0x2328, v3  }
0x150: {  	v10 =	vadd.s32 $0x2710, v4;
	v7 =	vld.idx.msk [tilespmem:v7+s14+$0x0], $0xffff  }
0x151: {  	v11 =	vadd.s32 $0x1388, v5;
	v15 =	vld.idx.msk [tilespmem:v8+s14+$0x0], $0xffff;
	[tilespmem:s30+$0x200] =	vst v2  }
0x152: {  	s7 =	simm.s32 $0x200;
	v16 =	vadd.s32 $0x3E8, v8;
	v14 =	vld.idx.msk [tilespmem:v1+s14+$0x0], $0xffff;
	[tilespmem:s29+$0x5C00] =	vst v12  }
0x153: {  	s13 =	simm.s32 $0x40;
	s0 =	sand.u32 $0x7C00, s7;
	s8 =	simm.s32 $0x50;
	v2 =	vld.idx.msk [tilespmem:v9+s14+$0x0], $0xffff;
	[tilespmem:s15+$0x5C80] =	vst v6;
	v6 =	vadd.s32 $0x3E8, v1  }
0x154: {  	s0 =	sadd.s32 $0xCF00, s0;
	s1 =	sand.u32 $0x70, s8;
	s6 =	sand.u32 $0x60, s13;
	v13 =	vld.idx.msk [tilespmem:v13+s14+$0x0], $0xffff  }
0x155: {  	s1 =	sor.u32 s1, s0;
	s0 =	sor.u32 s6, s0;
	[tilespmem:s31+$0x200] =	vst v7;
	v9 =	vld.idx.msk [tilespmem:v10+s14+$0x0], $0xffff;
	v10 =	vadd.s32 $0x1770, v0  }
0x156: {  	v7 =	vadd.s32 $0x2AF8, v4;
	v11 =	vld.idx.msk [tilespmem:v11+s14+$0x0], $0xffff;
	[tilespmem:s0+$0x0] =	vst v15  }
0x157: {  	v12 =	vadd.s32 $0x1770, v5;
	[tilespmem:s1+$0x0] =	vst v14;
	v15 =	vld.idx.msk [tilespmem:v16+s14+$0x0], $0xffff  }
0x158: {  	s16 =	simm.s32 $0xBF0;
	v14 =	vadd.s32 $0x2710, v3;
	v6 =	vld.idx.msk [tilespmem:v6+s14+$0x0], $0xffff;
	[tilespmem:s30+$0x280] =	vst v2  }
0x159: {  	v27 =	vld [tilespmem:s16+$0xFFFFFFF0];
	v16 =	vadd.s32 $0x7D0, v8;
	[tilespmem:s29+$0x5C80] =	vst v13  }
0x15a: {  	v2 =	vld.idx.msk [tilespmem:v10+s14+$0x0], $0xffff;
	[tilespmem:s15+$0x5D00] =	vst v9;
	v9 =	vadd.s32 $0x7D0, v1  }
0x15b: {  	v10 =	vadd.s32 $0x1B58, v0;
	[tilespmem:s31+$0x280] =	vst v11;
	v7 =	vld.idx.msk [tilespmem:v7+s14+$0x0], $0xffff  }
0x15c: {  	v11 =	vadd.s32 $0x2EE0, v4;
	v12 =	vld.idx.msk [tilespmem:v12+s14+$0x0], $0xffff;
	[tilespmem:s0+$0x80] =	vst v15  }
0x15d: {  	v13 =	vadd.s32 $0x1B58, v5;
	[tilespmem:s1+$0x80] =	vst v6;
	v6 =	vld.idx.msk [tilespmem:v14+s14+$0x0], $0xffff  }
0x15e: {  	v15 =	vld.idx.msk [tilespmem:v16+s14+$0x0], $0xffff;
	v14 =	vadd.s32 $0x2AF8, v3  }
0x15f: {  	v16 =	vadd.s32 $0xBB8, v8;
	v9 =	vld.idx.msk [tilespmem:v9+s14+$0x0], $0xffff;
	[tilespmem:s30+$0x300] =	vst v2  }
0x160: {  	v2 =	vld.idx.msk [tilespmem:v10+s14+$0x0], $0xffff;
	[tilespmem:s15+$0x5D80] =	vst v7;
	v7 =	vadd.s32 $0xBB8, v1  }
0x161: {  	[tilespmem:s31+$0x300] =	vst v12;
	v10 =	vld.idx.msk [tilespmem:v11+s14+$0x0], $0xffff  }
0x162: {  	v11 =	vadd.s32 $0x1F40, v0;
	v13 =	vld.idx.msk [tilespmem:v13+s14+$0x0], $0xffff;
	[tilespmem:s29+$0x5D00] =	vst v6  }
0x163: {  	v12 =	vadd.s32 $0x32C8, v4;
	[tilespmem:s0+$0x100] =	vst v15;
	v6 =	vld.idx.msk [tilespmem:v14+s14+$0x0], $0xffff  }
0x164: {  	[tilespmem:s1+$0x100] =	vst v9;
	v14 =	vld.idx.msk [tilespmem:v16+s14+$0x0], $0xffff  }
0x165: {  	v16 =	vadd.s32 $0x1F40, v5;
	v7 =	vld.idx.msk [tilespmem:v7+s14+$0x0], $0xffff  }
0x166: {  	v17 =	vadd.s32 $0xFA0, v8;
	[tilespmem:s30+$0x380] =	vst v2;
	v2 =	vld [tilespmem:s16+$0x0]  }
0x167: {  	v9 =	vld.idx.msk [tilespmem:v11+s14+$0x0], $0xffff;
	[tilespmem:s15+$0x5E00] =	vst v10;
	v10 =	vadd.s32 $0xFA0, v1  }
0x168: {  	[tilespmem:s31+$0x380] =	vst v13;
	v11 =	vld.idx.msk [tilespmem:v12+s14+$0x0], $0xffff;
	v12 =	vadd.s32 $0x2328, v0  }
0x169: {  	v15 =	vadd.s32 $0x36B0, v4;
	[tilespmem:s0+$0x180] =	vst v14  }
0x16a: {  	v13 =	vld.idx.msk [tilespmem:v16+s14+$0x0], $0xffff;
	[tilespmem:s29+$0x5D80] =	vst v6  }
0x16b: {  	[tilespmem:s1+$0x180] =	vst v7;
	v6 =	vld.idx.msk [tilespmem:v17+s14+$0x0], $0xffff  }
0x16c: {  	v7 =	vadd.s32 $0x2EE0, v3;
	v10 =	vld.idx.msk [tilespmem:v10+s14+$0x0], $0xffff;
	[tilespmem:s30+$0x5C00] =	vst v9  }
0x16d: {  	v9 =	vld.idx.msk [tilespmem:v12+s14+$0x0], $0xffff;
	[tilespmem:s15+$0x5E80] =	vst v11;
	v11 =	vadd.s32 $0x1388, v1  }
0x16e: {  	v14 =	vadd.s32 $0x2710, v0;
	v12 =	vld.idx.msk [tilespmem:v15+s14+$0x0], $0xffff  }
0x16f: {  	v15 =	vadd.s32 $0x1388, v8;
	v16 =	vld.idx.msk [tilespmem:v2+s14+$0x0], $0xffff  }
0x170: {  	v4 =	vadd.s32 $0x3A98, v4;
	[tilespmem:s31+$0x5C00] =	vst v13;
	v13 =	vld.idx.msk [tilespmem:v27+s14+$0x0], $0xffff  }
0x171: {  	s13 =	simm.s32 $0x300;
	v7 =	vld.idx.msk [tilespmem:v7+s14+$0x0], $0xffff;
	[tilespmem:s1+$0x200] =	vst v10;
	v10 =	vadd.s32 $0x2328, v5  }
0x172: {  	s7 =	simm.s32 $0x70;
	s23 =	sand.u32 $0x7C00, s13;
	v17 =	vadd.s32 $0x32C8, v3;
	v11 =	vld.idx.msk [tilespmem:v11+s14+$0x0], $0xffff;
	[tilespmem:s30+$0x5C80] =	vst v9  }
0x173: {  	s25 =	sand.u32 $0x70, s7;
	s8 =	sadd.s32 $0xCF00, s23;
	[tilespmem:s0+$0x200] =	vst v6;
	v9 =	vadd.s32 $0x3E8, v2;
	v14 =	vld.idx.msk [tilespmem:v14+s14+$0x0], $0xffff  }
0x174: {  	s7 =	simm.s32 $0x60;
	s6 =	sor.u32 s25, s8;
	[tilespmem:s15+$0x5F00] =	vst v12;
	v12 =	vadd.s32 $0x1770, v1;
	v15 =	vld.idx.msk [tilespmem:v15+s14+$0x0], $0xffff  }
0x175: {  	s23 =	sand.u32 $0x60, s7;
	v6 =	vadd.s32 $0x2AF8, v0;
	[tilespmem:s6+$0x0] =	vst v16;
	v4 =	vld.idx.msk [tilespmem:v4+s14+$0x0], $0xffff  }
0x176: {  	s8 =	sor.u32 s23, s8;
	v16 =	vadd.s32 $0x1770, v8;
	[tilespmem:s29+$0x5E00] =	vst v7;
	v10 =	vld.idx.msk [tilespmem:v10+s14+$0x0], $0xffff  }
0x177: {  	[tilespmem:s8+$0x0] =	vst v13;
	v7 =	vadd.s32 $0x3E8, v27;
	v13 =	vld.idx.msk [tilespmem:v17+s14+$0x0], $0xffff  }
0x178: {  	v9 =	vld.idx.msk [tilespmem:v9+s14+$0x0], $0xffff;
	[tilespmem:s1+$0x280] =	vst v11;
	v11 =	vadd.s32 $0x2710, v5  }
0x179: {  	v17 =	vadd.s32 $0x36B0, v3;
	v12 =	vld.idx.msk [tilespmem:v12+s14+$0x0], $0xffff;
	[tilespmem:s30+$0x5D00] =	vst v14  }
0x17a: {  	v14 =	vadd.s32 $0x7D0, v2;
	[tilespmem:s0+$0x280] =	vst v15;
	v6 =	vld.idx.msk [tilespmem:v6+s14+$0x0], $0xffff  }
0x17b: {  	[tilespmem:s15+$0x5F80] =	vst v4;
	v4 =	vadd.s32 $0x1B58, v1;
	v16 =	vld.idx.msk [tilespmem:v16+s14+$0x0], $0xffff  }
0x17c: {  	v15 =	vadd.s32 $0x2EE0, v0;
	v7 =	vld.idx.msk [tilespmem:v7+s14+$0x0], $0xffff;
	[tilespmem:s31+$0x5C80] =	vst v10  }
0x17d: {  	v18 =	vadd.s32 $0x1B58, v8;
	[tilespmem:s29+$0x5E80] =	vst v13;
	v11 =	vld.idx.msk [tilespmem:v11+s14+$0x0], $0xffff  }
0x17e: {  	v10 =	vadd.s32 $0x7D0, v27;
	[tilespmem:s6+$0x80] =	vst v9;
	v61 =	vld.idx.msk [tilespmem:v17+s14+$0x0], $0xffff  }
0x17f: {  	v29 =	vadd.s32 $0x3A98, v3;
	v37 =	vadd.s32 $0xBB8, v27;
	v20 =	vld.idx.msk [tilespmem:v14+s14+$0x0], $0xffff;
	[tilespmem:s1+$0x300] =	vst v12;
	v12 =	vadd.s32 $0x2AF8, v5  }
0x180: {  	v26 =	vadd.s32 $0xFA0, v27;
	v24 =	vadd.s32 $0x1388, v27;
	v23 =	vadd.s32 $0x1770, v27;
	v21 =	vld.idx.msk [tilespmem:v4+s14+$0x0], $0xffff;
	[tilespmem:s30+$0x5D80] =	vst v6  }
0x181: {  	v25 =	vadd.s32 $0x1F40, v27;
	v63 =	vadd.s32 $0x32C8, v0;
	v22 =	vadd.s32 $0xBB8, v2;
	[tilespmem:s0+$0x300] =	vst v16;
	v30 =	vld.idx.msk [tilespmem:v15+s14+$0x0], $0xffff  }
0x182: {  	v19 =	vadd.s32 $0x1F40, v8;
	v31 =	vadd.s32 $0x1F40, v1;
	v32 =	vadd.s32 $0x2328, v1;
	[tilespmem:s8+$0x80] =	vst v7;
	v36 =	vld.idx.msk [tilespmem:v18+s14+$0x0], $0xffff  }
0x183: {  	v35 =	vadd.s32 $0xFA0, v2;
	v3 =	vadd.s32 $0x3A98, v5;
	v13 =	vadd.s32 $0x2EE0, v8;
	v62 =	vld.idx.msk [tilespmem:v10+s14+$0x0], $0xffff;
	[tilespmem:s31+$0x5D00] =	vst v11  }
0x184: {  	v9 =	vadd.s32 $0x2EE0, v5;
	v17 =	vadd.s32 $0x2328, v8;
	v14 =	vadd.s32 $0x2AF8, v8;
	[tilespmem:s29+$0x5F00] =	vst v61;
	v28 =	vld.idx.msk [tilespmem:v12+s14+$0x0], $0xffff  }
0x185: {  	v6 =	vadd.s32 $0x32C8, v5;
	v4 =	vadd.s32 $0x36B0, v5;
	v5 =	vadd.s32 $0x3A98, v8;
	[tilespmem:s6+$0x100] =	vst v20;
	v29 =	vld.idx.msk [tilespmem:v29+s14+$0x0], $0xffff  }
0x186: {  	v16 =	vadd.s32 $0x2EE0, v27;
	v15 =	vadd.s32 $0x2710, v8;
	v7 =	vadd.s32 $0x36B0, v8;
	v33 =	vld.idx.msk [tilespmem:v22+s14+$0x0], $0xffff;
	[tilespmem:s1+$0x380] =	vst v21  }
0x187: {  	v18 =	vadd.s32 $0x2AF8, v27;
	v10 =	vadd.s32 $0x32C8, v8;
	v8 =	vadd.s32 $0x3A98, v27;
	v31 =	vld.idx.msk [tilespmem:v31+s14+$0x0], $0xffff;
	[tilespmem:s30+$0x5E00] =	vst v30  }
0x188: {  	v11 =	vadd.s32 $0x36B0, v27;
	v20 =	vadd.s32 $0x2710, v27;
	v12 =	vadd.s32 $0x32C8, v27;
	v30 =	vld.idx.msk [tilespmem:v63+s14+$0x0], $0xffff;
	[tilespmem:s8+$0x100] =	vst v62  }
0x189: {  	s15 =	simm.s32 $0xC10;
	v22 =	vadd.s32 $0x1B58, v27;
	v21 =	vadd.s32 $0x2328, v27;
	v27 =	vadd.s32 $0x36B0, v0;
	[tilespmem:s0+$0x380] =	vst v36;
	v34 =	vld.idx.msk [tilespmem:v37+s14+$0x0], $0xffff  }
.LBB2_5:
0x18a: {  	v36 =	vld [tilespmem:s15+$0x0];
	[tilespmem:s31+$0x5D80] =	vst v28  }
0x18b: {  	v28 =	vld [tilespmem:s15+$0xFFFFFFF0];
	[tilespmem:s6+$0x180] =	vst v33  }
0x18c: {  	v33 =	vld.idx.msk [tilespmem:v35+s14+$0x0], $0xffff;
	[tilespmem:s1+$0x5C00] =	vst v31  }
0x18d: {  	v31 =	vld.idx.msk [tilespmem:v32+s14+$0x0], $0xffff;
	[tilespmem:s30+$0x5E80] =	vst v30  }
0x18e: {  	v30 =	vadd.s32 $0x1388, v2;
	v32 =	vld.idx.msk [tilespmem:v27+s14+$0x0], $0xffff;
	[tilespmem:s29+$0x5F80] =	vst v29;
	s29 =	smov.u32 s31;
	s31 =	smov.u32 s0;
	s0 =	smov.u32 s8  }
0x18f: {  	[tilespmem:s0+$0x180] =	vst v34;
	v29 =	vld.idx.msk [tilespmem:v19+s14+$0x0], $0xffff;
	v34 =	vadd.s32 $0x2710, v1;
	v19 =	vmov v25  }
0x190: {  	v39 =	vadd.s32 $0x3A98, v0;
	v0 =	vmovc v1;
	v1 =	vmovc v2;
	v35 =	vadd.s32 $0x3E8, v28;
	v37 =	vadd.s32 $0x7D0, v28;
	v38 =	vld.idx.msk [tilespmem:v26+s14+$0x0], $0xffff  }
0x191: {  	v2 =	vmovc v36;
	v27 =	vadd.s32 $0xBB8, v28;
	v26 =	vadd.s32 $0xFA0, v28;
	v40 =	vadd.s32 $0x1388, v28;
	v41 =	vld.idx.msk [tilespmem:v9+s14+$0x0], $0xffff;
	v9 =	vmovc v13  }
0x192: {  	v42 =	vadd.s32 $0x1770, v28;
	v43 =	vadd.s32 $0x1B58, v28;
	v25 =	vadd.s32 $0x1F40, v28;
	v13 =	vmovc v16;
	v36 =	vld.idx.msk [tilespmem:v36+s14+$0x0], $0xffff;
	[tilespmem:s6+$0x200] =	vst v33  }
0x193: {  	v44 =	vadd.s32 $0x2710, v28;
	v45 =	vadd.s32 $0x2AF8, v28;
	v33 =	vadd.s32 $0x2328, v28;
	v30 =	vld.idx.msk [tilespmem:v30+s14+$0x0], $0xffff;
	[tilespmem:s1+$0x5C80] =	vst v31  }
0x194: {  	s13 =	sadd.s32 $0x100, s13;
	v46 =	vadd.s32 $0x3E8, v2;
	v16 =	vadd.s32 $0x2EE0, v28;
	v31 =	vadd.s32 $0x32C8, v28;
	v34 =	vld.idx.msk [tilespmem:v34+s14+$0x0], $0xffff;
	[tilespmem:s30+$0x5F00] =	vst v32  }
0x195: {  	s23 =	sadd.s32 $0x30, s7;
	s7 =	sadd.s32 $0x20, s7;
	s8 =	sand.u32 $0x7C00, s13;
	v47 =	vadd.s32 $0x3A98, v28;
	v48 =	vadd.s32 $0x1770, v1;
	v32 =	vadd.s32 $0x36B0, v28;
	[tilespmem:s31+$0x5C00] =	vst v29;
	v29 =	vld.idx.msk [tilespmem:v39+s14+$0x0], $0xffff  }
0x196: {  	s25 =	sand.u32 $0x60, s7;
	s23 =	sand.u32 $0x70, s23;
	s16 =	sadd.s32 $0xCF00, s8;
	v28 =	vld.idx.msk [tilespmem:v28+s14+$0x0], $0xffff;
	[tilespmem:s0+$0x200] =	vst v38;
	v38 =	vadd.s32 $0x2AF8, v0  }
0x197: {  	p1 =	slt.u32 s7, $0xB60;
	s8 =	sor.u32 s25, s16;
	s16 =	sor.u32 s23, s16;
	v39 =	vld.idx.msk [tilespmem:v24+s14+$0x0], $0xffff;
	[tilespmem:s29+$0x5E00] =	vst v41;
	v24 =	vmov v40  }
0x198: {  	[tilespmem:s16+$0x0] =	vst v36;
	v36 =	vld.idx.msk [tilespmem:v17+s14+$0x0], $0xffff;
	v17 =	vmov v21;
	v21 =	vmov v33  }
0x199: {  	v33 =	vld.idx.msk [tilespmem:v46+s14+$0x0], $0xffff;
	[tilespmem:s6+$0x280] =	vst v30  }
0x19a: {  	v30 =	vld.idx.msk [tilespmem:v48+s14+$0x0], $0xffff;
	[tilespmem:s1+$0x5D00] =	vst v34  }
0x19b: {  	v34 =	vadd.s32 $0x7D0, v2;
	v38 =	vld.idx.msk [tilespmem:v38+s14+$0x0], $0xffff;
	[tilespmem:s30+$0x5F80] =	vst v29;
	s30 =	smov.u32 s1;
	s1 =	smov.u32 s6;
	s6 =	smov.u32 s16  }
0x19c: {  	[tilespmem:s8+$0x0] =	vst v28;
	v28 =	vadd.s32 $0x1B58, v1;
	v29 =	vld.idx.msk [tilespmem:v6+s14+$0x0], $0xffff;
	v6 =	vmovc v10;
	v10 =	vmov v12;
	v12 =	vmov v31  }
0x19d: {  	v31 =	vld.idx.msk [tilespmem:v35+s14+$0x0], $0xffff;
	[tilespmem:s0+$0x280] =	vst v39;
	v35 =	vadd.s32 $0x2EE0, v0  }
0x19e: {  	v39 =	vld.idx.msk [tilespmem:v23+s14+$0x0], $0xffff;
	[tilespmem:s31+$0x5C80] =	vst v36;
	v23 =	vmov v42  }
0x19f: {  	[tilespmem:s6+$0x80] =	vst v33;
	v33 =	vld.idx.msk [tilespmem:v15+s14+$0x0], $0xffff;
	v15 =	vmov v20;
	v20 =	vmov v44  }
0x1a0: {  	v34 =	vld.idx.msk [tilespmem:v34+s14+$0x0], $0xffff;
	[tilespmem:s1+$0x300] =	vst v30  }
0x1a1: {  	v30 =	vld.idx.msk [tilespmem:v28+s14+$0x0], $0xffff;
	[tilespmem:s30+$0x5D80] =	vst v38  }
0x1a2: {  	v36 =	vadd.s32 $0xBB8, v2;
	v35 =	vld.idx.msk [tilespmem:v35+s14+$0x0], $0xffff;
	[tilespmem:s29+$0x5E80] =	vst v29  }
0x1a3: {  	v29 =	vadd.s32 $0x1F40, v1;
	[tilespmem:s8+$0x80] =	vst v31;
	v38 =	vld.idx.msk [tilespmem:v4+s14+$0x0], $0xffff;
	v4 =	vmovc v7;
	v7 =	vmov v11;
	v11 =	vmov v32  }
0x1a4: {  	v32 =	vld.idx.msk [tilespmem:v37+s14+$0x0], $0xffff;
	[tilespmem:s0+$0x300] =	vst v39;
	v37 =	vadd.s32 $0x32C8, v0  }
0x1a5: {  	v39 =	vld.idx.msk [tilespmem:v22+s14+$0x0], $0xffff;
	[tilespmem:s31+$0x5D00] =	vst v33;
	v22 =	vmov v43  }
0x1a6: {  	[tilespmem:s6+$0x100] =	vst v34;
	v28 =	vld.idx.msk [tilespmem:v14+s14+$0x0], $0xffff;
	v14 =	vmov v18;
	v18 =	vmov v45  }
.Ltmp3:
0x1a7: {  	v33 =	vld.idx.msk [tilespmem:v36+s14+$0x0], $0xffff;
	[tilespmem:s1+$0x380] =	vst v30;
	(pc) =	sbr.rel @p1 .LBB2_5-.Ltmp3, $4  }
0x1a8: {  	v31 =	vld.idx.msk [tilespmem:v29+s14+$0x0], $0xffff;
	[tilespmem:s30+$0x5E00] =	vst v35  }
0x1a9: {  	v35 =	vadd.s32 $0xFA0, v2;
	v30 =	vld.idx.msk [tilespmem:v37+s14+$0x0], $0xffff;
	[tilespmem:s29+$0x5F00] =	vst v38  }
0x1aa: {  	[tilespmem:s8+$0x100] =	vst v32;
	v32 =	vadd.s32 $0x2328, v1;
	v29 =	vld.idx.msk [tilespmem:v3+s14+$0x0], $0xffff;
	v3 =	vmovc v5;
	v5 =	vmov v8;
	v8 =	vmov v47  }
0x1ab: {  	s15 =	sadd.s32 $0x20, s15;
	v34 =	vld.idx.msk [tilespmem:v27+s14+$0x0], $0xffff;
	[tilespmem:s0+$0x380] =	vst v39;
	v27 =	vadd.s32 $0x36B0, v0  }
0x1ac: {  	_ =	sdelay $0x2  }
0x1ad: {  	[tilespmem:s6+$0x180] =	vst v33  }
0x1ae: {  	v33 =	vld.idx.msk [tilespmem:v35+s14+$0x0], $0xffff;
	[tilespmem:s8+$0x180] =	vst v34  }
0x1af: {  	v63 =	vadd.s32 $0x1388, v2;
	v26 =	vld.idx.msk [tilespmem:v26+s14+$0x0], $0xffff;
	_ =	sdelay $0x3  }
0x1b0: {  	[tilespmem:s6+$0x200] =	vst v33  }
0x1b1: {  	v33 =	vld.idx.msk [tilespmem:v63+s14+$0x0], $0xffff;
	[tilespmem:s8+$0x200] =	vst v26  }
0x1b2: {  	v36 =	vadd.s32 $0x1770, v2;
	v24 =	vld.idx.msk [tilespmem:v24+s14+$0x0], $0xffff;
	_ =	sdelay $0x3  }
0x1b3: {  	[tilespmem:s6+$0x280] =	vst v33  }
0x1b4: {  	v26 =	vld.idx.msk [tilespmem:v36+s14+$0x0], $0xffff;
	[tilespmem:s8+$0x280] =	vst v24  }
0x1b5: {  	v37 =	vadd.s32 $0x1B58, v2;
	v23 =	vld.idx.msk [tilespmem:v23+s14+$0x0], $0xffff;
	_ =	sdelay $0x3  }
0x1b6: {  	[tilespmem:s6+$0x300] =	vst v26  }
0x1b7: {  	v24 =	vld.idx.msk [tilespmem:v37+s14+$0x0], $0xffff;
	[tilespmem:s8+$0x300] =	vst v23  }
0x1b8: {  	v38 =	vadd.s32 $0x1F40, v2;
	v22 =	vld.idx.msk [tilespmem:v22+s14+$0x0], $0xffff;
	_ =	sdelay $0x3  }
0x1b9: {  	v19 =	vld.idx.msk [tilespmem:v19+s14+$0x0], $0xffff;
	[tilespmem:s6+$0x380] =	vst v24  }
0x1ba: {  	v23 =	vld.idx.msk [tilespmem:v38+s14+$0x0], $0xffff;
	[tilespmem:s8+$0x380] =	vst v22  }
0x1bb: {  	v39 =	vadd.s32 $0x2328, v2;
	v40 =	vld.idx.msk [tilespmem:v25+s14+$0x0], $0xffff;
	_ =	sdelay $0x1  }
0x1bc: {  	[tilespmem:s1+$0x5C00] =	vst v31  }
0x1bd: {  	v41 =	vld.idx.msk [tilespmem:v32+s14+$0x0], $0xffff;
	[tilespmem:s0+$0x5C00] =	vst v19  }
0x1be: {  	v42 =	vadd.s32 $0x2710, v1;
	v17 =	vld.idx.msk [tilespmem:v17+s14+$0x0], $0xffff;
	[tilespmem:s6+$0x5C00] =	vst v23  }
0x1bf: {  	v22 =	vld.idx.msk [tilespmem:v39+s14+$0x0], $0xffff;
	[tilespmem:s8+$0x5C00] =	vst v40  }
0x1c0: {  	v43 =	vadd.s32 $0x2710, v2;
	v21 =	vld.idx.msk [tilespmem:v21+s14+$0x0], $0xffff;
	_ =	sdelay $0x1  }
0x1c1: {  	[tilespmem:s1+$0x5C80] =	vst v41  }
0x1c2: {  	v19 =	vld.idx.msk [tilespmem:v42+s14+$0x0], $0xffff;
	[tilespmem:s0+$0x5C80] =	vst v17  }
0x1c3: {  	v44 =	vadd.s32 $0x2AF8, v1;
	v15 =	vld.idx.msk [tilespmem:v15+s14+$0x0], $0xffff;
	[tilespmem:s6+$0x5C80] =	vst v22  }
0x1c4: {  	v22 =	vld.idx.msk [tilespmem:v43+s14+$0x0], $0xffff;
	[tilespmem:s8+$0x5C80] =	vst v21  }
0x1c5: {  	v45 =	vadd.s32 $0x2AF8, v2;
	v20 =	vld.idx.msk [tilespmem:v20+s14+$0x0], $0xffff;
	_ =	sdelay $0x1  }
0x1c6: {  	[tilespmem:s1+$0x5D00] =	vst v19  }
0x1c7: {  	v17 =	vld.idx.msk [tilespmem:v44+s14+$0x0], $0xffff;
	[tilespmem:s0+$0x5D00] =	vst v15  }
0x1c8: {  	v46 =	vadd.s32 $0x2EE0, v1;
	v14 =	vld.idx.msk [tilespmem:v14+s14+$0x0], $0xffff;
	[tilespmem:s6+$0x5D00] =	vst v22  }
0x1c9: {  	v47 =	vld.idx.msk [tilespmem:v45+s14+$0x0], $0xffff;
	[tilespmem:s8+$0x5D00] =	vst v20  }
0x1ca: {  	v48 =	vadd.s32 $0x2EE0, v2;
	v18 =	vld.idx.msk [tilespmem:v18+s14+$0x0], $0xffff  }
0x1cb: {  	[tilespmem:s31+$0x5D80] =	vst v28  }
0x1cc: {  	v9 =	vld.idx.msk [tilespmem:v9+s14+$0x0], $0xffff;
	[tilespmem:s1+$0x5D80] =	vst v17  }
0x1cd: {  	v15 =	vld.idx.msk [tilespmem:v46+s14+$0x0], $0xffff;
	[tilespmem:s0+$0x5D80] =	vst v14  }
0x1ce: {  	v49 =	vadd.s32 $0x32C8, v1;
	v13 =	vld.idx.msk [tilespmem:v13+s14+$0x0], $0xffff;
	[tilespmem:s6+$0x5D80] =	vst v47  }
0x1cf: {  	v50 =	vld.idx.msk [tilespmem:v48+s14+$0x0], $0xffff;
	[tilespmem:s8+$0x5D80] =	vst v18  }
0x1d0: {  	v51 =	vadd.s32 $0x32C8, v2;
	[tilespmem:s30+$0x5E80] =	vst v30;
	v16 =	vld.idx.msk [tilespmem:v16+s14+$0x0], $0xffff  }
0x1d1: {  	[tilespmem:s31+$0x5E00] =	vst v9  }
0x1d2: {  	v6 =	vld.idx.msk [tilespmem:v6+s14+$0x0], $0xffff;
	[tilespmem:s1+$0x5E00] =	vst v15  }
0x1d3: {  	v52 =	vld.idx.msk [tilespmem:v49+s14+$0x0], $0xffff;
	[tilespmem:s0+$0x5E00] =	vst v13  }
0x1d4: {  	v53 =	vadd.s32 $0x36B0, v1;
	v10 =	vld.idx.msk [tilespmem:v10+s14+$0x0], $0xffff;
	[tilespmem:s6+$0x5E00] =	vst v50  }
0x1d5: {  	v54 =	vld.idx.msk [tilespmem:v51+s14+$0x0], $0xffff;
	[tilespmem:s8+$0x5E00] =	vst v16  }
0x1d6: {  	v55 =	vadd.s32 $0x36B0, v2;
	[tilespmem:s29+$0x5F80] =	vst v29;
	v12 =	vld.idx.msk [tilespmem:v12+s14+$0x0], $0xffff  }
0x1d7: {  	v56 =	vld.idx.msk [tilespmem:v27+s14+$0x0], $0xffff;
	[tilespmem:s31+$0x5E80] =	vst v6  }
0x1d8: {  	v0 =	vadd.s32 $0x3A98, v0;
	v4 =	vld.idx.msk [tilespmem:v4+s14+$0x0], $0xffff;
	[tilespmem:s1+$0x5E80] =	vst v52  }
0x1d9: {  	v57 =	vld.idx.msk [tilespmem:v53+s14+$0x0], $0xffff;
	[tilespmem:s0+$0x5E80] =	vst v10  }
0x1da: {  	v58 =	vadd.s32 $0x3A98, v1;
	v7 =	vld.idx.msk [tilespmem:v7+s14+$0x0], $0xffff;
	[tilespmem:s6+$0x5E80] =	vst v54  }
0x1db: {  	v59 =	vld.idx.msk [tilespmem:v55+s14+$0x0], $0xffff;
	[tilespmem:s8+$0x5E80] =	vst v12  }
0x1dc: {  	v60 =	vadd.s32 $0x3A98, v2;
	[tilespmem:s30+$0x5F00] =	vst v56;
	v61 =	vld.idx.msk [tilespmem:v11+s14+$0x0], $0xffff  }
0x1dd: {  	v0 =	vld.idx.msk [tilespmem:v0+s14+$0x0], $0xffff;
	[tilespmem:s31+$0x5F00] =	vst v4  }
0x1de: {  	v3 =	vld.idx.msk [tilespmem:v3+s14+$0x0], $0xffff;
	[tilespmem:s1+$0x5F00] =	vst v57  }
0x1df: {  	v1 =	vld.idx.msk [tilespmem:v58+s14+$0x0], $0xffff;
	[tilespmem:s0+$0x5F00] =	vst v7  }
0x1e0: {  	v62 =	vld.idx.msk [tilespmem:v5+s14+$0x0], $0xffff;
	[tilespmem:s6+$0x5F00] =	vst v59  }
0x1e1: {  	v2 =	vld.idx.msk [tilespmem:v60+s14+$0x0], $0xffff;
	[tilespmem:s8+$0x5F00] =	vst v61  }
0x1e2: {  	[tilespmem:s30+$0x5F80] =	vst v0;
	v63 =	vld.idx.msk [tilespmem:v8+s14+$0x0], $0xffff  }
0x1e3: {  	[tilespmem:s31+$0x5F80] =	vst v3  }
0x1e4: {  	[tilespmem:s1+$0x5F80] =	vst v1  }
0x1e5: {  	s30 =	sadd.s32 s28, s11;
	[tilespmem:s0+$0x5F80] =	vst v62  }
.Ltmp4:
0x1e6: {  	s0 =	sshll.u32 s30, $0x7;
	[tilespmem:s6+$0x5F80] =	vst v2;
	(pc) =	sbr.rel @p0 .LBB2_8-.Ltmp4, $4  }
0x1e7: {  	s31 =	sadd.s32 s3, s0;
	[tilespmem:s8+$0x5F80] =	vst v63  }
0x1e8: {  	[hbm4b:s31+s4] =	stream.linear.scatter [tilespmem:s21], [sflag:$0x4], $0x5C00, $0x38;
	[tilespmem:$0x1C580] =	vst v63  }
0x1e9: {  	s0 =	sadd.s32 s0, s9  }
0x1ea: {  	[hbm4b:s0+s4] =	stream.linear.scatter [tilespmem:s22], [sflag:$0x4], $0x5C00, $0x38;
	[tilespmem:$0x1C580] =	vst v63  }
.Ltmp5:
0x1eb: {  	(pc) =	sbr.rel .LBB2_2-.Ltmp5, $4  }
0x1ec: {  	s0 =	sadd.s32 s28, s12  }
0x1ed: {  	s0 =	sshll.u32 s0, $0x4  }
0x1ee: {  	s1 =	simm.s32 $0xB80;
	s26 =	sadd.s32 $0x1, s26;
	s0 =	sadd.s32 s2, s0  }
0x1ef: {  	[tilespmem:s1], [sflag:$0x2] =	stream.linear.gather [hbm4b:s0+s4], $0xB80, $0x38;
	[tilespmem:$0x1C580] =	vst v63  }
.LBB2_9:
0x1f0: {  	_ =	sfence.sel $0x180000  }
0x1f1: {  	[bflag:$0x0] =	sbarrier.arrive $0xFFFF  }
0x1f2: {  	_ =	strace $0x90000047  }
0x1f3: {  	s0 =	stileid.u32;
	[bflag:$0x2] =	sbarrier.arrive $0xFFFF  }
0x1f4: {  	p0 =	sne.s32 s0, $0x0;
	s0 =	rddreg [dreg:$0x3]  }
0x1f5: {  	s0 =	sadd.s32 @!p0 $0x100000, s0  }
0x1f6: {  	[sflag:s0] =	ssyncadd.tile.s32 @!p0 $0x1;
	_ =	shalt  }
.Lfunc_end2:
_tile_overlayer_lowered:
.L_overlay_start_2:
0x1f7: {  	(tag) =	ssettag $0x2  }
0x1f8: {  	s0 =	rddreg [dreg:$0x0];
	s2 =	stileid.u32  }
0x1f9: {  	s1 =	rddreg [dreg:$0x1];
	p0 =	sne.s32 s2, $0x0  }
0x1fa: {  	s3 =	rddreg [dreg:$0x2];
	[bflag:$0x3] =	sbarrier.arrive $0xFFFF;
	s2 =	simm.s32 @!p0 $0x1C05  }
0x1fb: {  	[timem:s3], [sflag:s2] =	dma.local @!p0 [hbm:s0], s1  }
0x1fc: {  	s0 =	simm.s32 @!p0 $0x5  }
0x1fd: {  	_ =	swait.ge @!p0 [sflag:s0], s1  }
0x1fe: {  	s1 =	ssub.s32 @!p0 $0x0, s1;
	[sflag:s0] =	ssyncset.done @!p0 $0x0  }
0x1ff: {  	[sflag:s0] =	ssyncadd.s32 @!p0 s1  }
0x200: {  	[bflag:$0x3] =	sbarrier.arrive $0xFFFF  }
0x201: {  	_ =	shalt  }

</sc_bundles>
